<compile_context>
chip_gen: v7x
topology: tpu7x:2x2x1
jax: 0.10.2.dev20260603
libtpu: 0.0.44.dev20260713+nightly
codegen_flags: <defaults>
</compile_context>

<pallas_src>
import functools

import jax
import jax.numpy as jnp
from jax import lax
from jax.experimental import pallas as pl
from jax.experimental.pallas import tpu as pltpu
from jax.experimental.pallas import tpu_sc as plsc

_M = 65536
_D = 256
_B = 4096
_L = 16
_NC = 2
_NS = 16
_NW = _NC * _NS
_RPW = _B // _NW
_CH = _B // _L
_NSEG = 4
_NB = 2
_RB = _RPW // _NB


def _sc_body(idx_hbm, val_hbm, out_hbm, idx_v, tbl_v, w_v, rows_v,
             gsem, wsem, isem):
    wid = lax.axis_index("s") * _NC + lax.axis_index("c")
    io = lax.iota(jnp.int32, _L)

    seg = _B // _NSEG
    copies = [
        pltpu.async_copy(idx_hbm.at[pl.ds(s * seg, seg)],
                         idx_v.at[pl.ds(s * seg, seg)], isem)
        for s in range(_NSEG)
    ]

    def scan_range(lo, hi):
        iv0 = idx_v[pl.ds(pl.multiple_of(lo * _L, _L), _L)]
        _, l0 = plsc.scan_count(iv0)
        iv1 = idx_v[pl.ds(pl.multiple_of((lo + 1) * _L, _L), _L)]
        _, l1 = plsc.scan_count(iv1)

        def chunk(c, carry):
            iv_a, l_a, iv_b, l_b = carry
            nbase = pl.multiple_of(jnp.minimum(c + 2, hi - 1) * _L, _L)
            iv_n = idx_v[pl.ds(nbase, _L)]
            _, l_n = plsc.scan_count(iv_n)
            plsc.store_scatter(tbl_v, [iv_a], c * _L + io, mask=l_a)
            return iv_b, l_b, iv_n, l_n

        lax.fori_loop(lo, hi, chunk, (iv0, l0, iv1, l1), unroll=4)

    for s in range(_NSEG):
        copies[s].wait()
        scan_range(s * (_CH // _NSEG), (s + 1) * (_CH // _NSEG))

    for c2 in range(_RPW // _L):
        base = pl.multiple_of(wid * _RPW + c2 * _L, _L)
        iv = idx_v[pl.ds(base, _L)]
        w_v[pl.ds(c2 * _L, _L)] = plsc.load_gather(tbl_v, [iv])

    writes = []
    g_prev = pltpu.async_copy(
        val_hbm.at[w_v.at[pl.ds(0, _RB)]], rows_v.at[pl.ds(0, _RB)], gsem)
    for k in range(_NB):
        if k + 1 < _NB:
            g_next = pltpu.async_copy(
                val_hbm.at[w_v.at[pl.ds((k + 1) * _RB, _RB)]],
                rows_v.at[pl.ds((k + 1) * _RB, _RB)], gsem)
        g_prev.wait()
        writes.append(pltpu.async_copy(
            rows_v.at[pl.ds(k * _RB, _RB)],
            out_hbm.at[pl.ds(wid * _RPW + k * _RB, _RB)], wsem))
        if k + 1 < _NB:
            g_prev = g_next
    for wcp in writes:
        wcp.wait()


_sc_kernel = functools.partial(
    pl.kernel,
    out_type=jax.ShapeDtypeStruct((_B, _D), jnp.float32),
    mesh=plsc.VectorSubcoreMesh(
        core_axis_name="c", subcore_axis_name="s",
        num_cores=_NC, num_subcores=_NS,
    ),
    compiler_params=pltpu.CompilerParams(needs_layout_passes=False),
    scratch_types=[
        pltpu.VMEM((_B,), jnp.int32),
        pltpu.VMEM((_M,), jnp.int32),
        pltpu.VMEM((_RPW,), jnp.int32),
        pltpu.VMEM((_RPW, _D), jnp.float32),
        pltpu.SemaphoreType.DMA,
        pltpu.SemaphoreType.DMA,
        pltpu.SemaphoreType.DMA,
    ],
)(_sc_body)


def kernel(mem, idx, val):
    del mem
    return _sc_kernel(idx.astype(jnp.int32), val)

# --- scband reference (transcript-rebuilt; emitter-appended) ---
"""Pipeline reference for scband-buffer-74715251081834 (READ-ONLY COPY).

The authoritative reference and input builder live on the scoring server;
editing this copy changes nothing except your own understanding.
"""

import jax, jax.numpy as jnp
import numpy as np

M = 65536
D = 256
B = 4096

def setup_inputs(seed: int = 0) -> dict:
    key = jax.random.key(seed)
    k1, k2 = jax.random.split(key)
    mem = jnp.zeros((M, D), dtype=jnp.float32)          # buffer_img analog (flattened), initialized empty
    idx = jax.random.randint(k1, (B,), 0, M)            # slot indices chosen by the update policy (reservoir-style)
    val = jax.random.normal(k2, (B, D), dtype=jnp.float32)  # incoming batch x to store
    return {"mem": mem, "idx": idx, "val": val}

def reference(mem, idx, val):
    # Buffer.update: scatter-overwrite incoming samples into the replay buffer slots
    new_mem = mem.at[idx].set(val)
    # Buffer.retrieve: gather a batch back out of the buffer (here: the just-written slots)
    retrieved = jnp.take(new_mem, idx, axis=0)
    return retrieved

if __name__ == "__main__":
    import jax
    _d = setup_inputs()
    print(jax.jit(kernel)(*tuple(_d.values())))

</pallas_src>

<mosaic_0001>
#map = affine_map<(d0, d1) -> (0)>
#map1 = affine_map<(d0, d1) -> (0, 0)>
module attributes {stable_mosaic.version = 14 : i64} {
  func.func @_sc_body(%arg0: i32, %arg1: i32, %arg2: memref<4096xi32, #tpu.memory_space<hbm>>, %arg3: memref<4096x256xf32, #tpu.memory_space<hbm>>, %arg4: memref<4096x256xf32, #tpu.memory_space<hbm>>, %arg5: memref<4096xi32, #tpu.memory_space<vmem>>, %arg6: memref<65536xi32, #tpu.memory_space<vmem>>, %arg7: memref<128xi32, #tpu.memory_space<vmem>>, %arg8: memref<128x256xf32, #tpu.memory_space<vmem>>, %arg9: memref<!tpu.dma_semaphore, #tpu.memory_space<semaphore_mem>>, %arg10: memref<!tpu.dma_semaphore, #tpu.memory_space<semaphore_mem>>, %arg11: memref<!tpu.dma_semaphore, #tpu.memory_space<semaphore_mem>>) attributes {dimension_semantics = [#tpu.dimension_semantics<core_parallel>, #tpu.dimension_semantics<subcore_parallel>], iteration_bounds = array<i64: 2, 16>, scalar_prefetch = 0 : i64, scratch_operands = 7 : i64, tpu.core_type = #tpu.core_type<sc_vector_subcore>, window_params = [{transform_indices = #map}, {transform_indices = #map1}, {transform_indices = #map1}]} {
    %mul3A = arith.constant 2 : i32
    %mul3A_0 = arith.muli %arg1, %mul3A : i32
    %add3A = arith.addi %mul3A_0, %arg0 : i32
    %iota3A = tpu.iota {dimensions = array<i32: 0>} : vector<16xi32>
    %dma_start3A = arith.constant 0 : i32
    %dma_start3A_1 = tpu.memref_slice %arg5[%dma_start3A] : memref<4096xi32, #tpu.memory_space<vmem>> -> memref<1024xi32, #tpu.memory_space<vmem>>
    %dma_start3A_2 = arith.constant 0 : i32
    %dma_start3A_3 = tpu.memref_slice %arg2[%dma_start3A_2] : memref<4096xi32, #tpu.memory_space<hbm>> -> memref<1024xi32, #tpu.memory_space<hbm>>
    %dma_start3A_4 = arith.constant 0 : i32
    %dma_start3A_5 = tpu.memref_slice %arg5[%dma_start3A_4] : memref<4096xi32, #tpu.memory_space<vmem>> -> memref<1024xi32, #tpu.memory_space<vmem>>
    %dma_start3A_6 = arith.constant 0 : i32
    %dma_start3A_7 = tpu.memref_slice %arg2[%dma_start3A_6] : memref<4096xi32, #tpu.memory_space<hbm>> -> memref<1024xi32, #tpu.memory_space<hbm>>
    tpu.enqueue_dma source(%dma_start3A_7 : memref<1024xi32, #tpu.memory_space<hbm>>) target(%dma_start3A_5 : memref<1024xi32, #tpu.memory_space<vmem>>) target_semaphore(%arg11 : memref<!tpu.dma_semaphore, #tpu.memory_space<semaphore_mem>>)
    %dma_start3A_8 = arith.constant 1024 : i32
    %dma_start3A_9 = tpu.memref_slice %arg5[%dma_start3A_8] : memref<4096xi32, #tpu.memory_space<vmem>> -> memref<1024xi32, #tpu.memory_space<vmem>>
    %dma_start3A_10 = arith.constant 1024 : i32
    %dma_start3A_11 = tpu.memref_slice %arg2[%dma_start3A_10] : memref<4096xi32, #tpu.memory_space<hbm>> -> memref<1024xi32, #tpu.memory_space<hbm>>
    %dma_start3A_12 = arith.constant 1024 : i32
    %dma_start3A_13 = tpu.memref_slice %arg5[%dma_start3A_12] : memref<4096xi32, #tpu.memory_space<vmem>> -> memref<1024xi32, #tpu.memory_space<vmem>>
    %dma_start3A_14 = arith.constant 1024 : i32
    %dma_start3A_15 = tpu.memref_slice %arg2[%dma_start3A_14] : memref<4096xi32, #tpu.memory_space<hbm>> -> memref<1024xi32, #tpu.memory_space<hbm>>
    tpu.enqueue_dma source(%dma_start3A_15 : memref<1024xi32, #tpu.memory_space<hbm>>) target(%dma_start3A_13 : memref<1024xi32, #tpu.memory_space<vmem>>) target_semaphore(%arg11 : memref<!tpu.dma_semaphore, #tpu.memory_space<semaphore_mem>>)
    %dma_start3A_16 = arith.constant 2048 : i32
    %dma_start3A_17 = tpu.memref_slice %arg5[%dma_start3A_16] : memref<4096xi32, #tpu.memory_space<vmem>> -> memref<1024xi32, #tpu.memory_space<vmem>>
    %dma_start3A_18 = arith.constant 2048 : i32
    %dma_start3A_19 = tpu.memref_slice %arg2[%dma_start3A_18] : memref<4096xi32, #tpu.memory_space<hbm>> -> memref<1024xi32, #tpu.memory_space<hbm>>
    %dma_start3A_20 = arith.constant 2048 : i32
    %dma_start3A_21 = tpu.memref_slice %arg5[%dma_start3A_20] : memref<4096xi32, #tpu.memory_space<vmem>> -> memref<1024xi32, #tpu.memory_space<vmem>>
    %dma_start3A_22 = arith.constant 2048 : i32
    %dma_start3A_23 = tpu.memref_slice %arg2[%dma_start3A_22] : memref<4096xi32, #tpu.memory_space<hbm>> -> memref<1024xi32, #tpu.memory_space<hbm>>
    tpu.enqueue_dma source(%dma_start3A_23 : memref<1024xi32, #tpu.memory_space<hbm>>) target(%dma_start3A_21 : memref<1024xi32, #tpu.memory_space<vmem>>) target_semaphore(%arg11 : memref<!tpu.dma_semaphore, #tpu.memory_space<semaphore_mem>>)
    %dma_start3A_24 = arith.constant 3072 : i32
    %dma_start3A_25 = tpu.memref_slice %arg5[%dma_start3A_24] : memref<4096xi32, #tpu.memory_space<vmem>> -> memref<1024xi32, #tpu.memory_space<vmem>>
    %dma_start3A_26 = arith.constant 3072 : i32
    %dma_start3A_27 = tpu.memref_slice %arg2[%dma_start3A_26] : memref<4096xi32, #tpu.memory_space<hbm>> -> memref<1024xi32, #tpu.memory_space<hbm>>
    %dma_start3A_28 = arith.constant 3072 : i32
    %dma_start3A_29 = tpu.memref_slice %arg5[%dma_start3A_28] : memref<4096xi32, #tpu.memory_space<vmem>> -> memref<1024xi32, #tpu.memory_space<vmem>>
    %dma_start3A_30 = arith.constant 3072 : i32
    %dma_start3A_31 = tpu.memref_slice %arg2[%dma_start3A_30] : memref<4096xi32, #tpu.memory_space<hbm>> -> memref<1024xi32, #tpu.memory_space<hbm>>
    tpu.enqueue_dma source(%dma_start3A_31 : memref<1024xi32, #tpu.memory_space<hbm>>) target(%dma_start3A_29 : memref<1024xi32, #tpu.memory_space<vmem>>) target_semaphore(%arg11 : memref<!tpu.dma_semaphore, #tpu.memory_space<semaphore_mem>>)
    %dma_wait3A = arith.constant 0 : i32
    %dma_wait3A_32 = tpu.memref_slice %arg5[%dma_wait3A] : memref<4096xi32, #tpu.memory_space<vmem>> -> memref<1024xi32, #tpu.memory_space<vmem>>
    %dma_wait3A_33 = arith.constant 0 : i32
    %dma_wait3A_34 = tpu.memref_slice %arg2[%dma_wait3A_33] : memref<4096xi32, #tpu.memory_space<hbm>> -> memref<1024xi32, #tpu.memory_space<hbm>>
    %dma_wait3A_35 = arith.constant 0 : i32
    %dma_wait3A_36 = tpu.memref_slice %arg5[%dma_wait3A_35] : memref<4096xi32, #tpu.memory_space<vmem>> -> memref<1024xi32, #tpu.memory_space<vmem>>
    %dma_wait3A_37 = arith.constant 0 : i32
    %dma_wait3A_38 = tpu.memref_slice %arg2[%dma_wait3A_37] : memref<4096xi32, #tpu.memory_space<hbm>> -> memref<1024xi32, #tpu.memory_space<hbm>>
    tpu.wait_dma2 semaphore(%arg11 : memref<!tpu.dma_semaphore, #tpu.memory_space<semaphore_mem>>) src(%dma_wait3A_38 : memref<1024xi32, #tpu.memory_space<hbm>>) dst(%dma_wait3A_36 : memref<1024xi32, #tpu.memory_space<vmem>>)
    %multiple_of3A = arith.constant 0 : i32
    %multiple_of3A_39 = tpu.assume_multiple %multiple_of3A, 16 : i32
    %get3A = arith.index_cast %multiple_of3A_39 : i32 to index
    %get3A_40 = tpu.vector_load %arg5[%get3A] {strides = array<i32>} : memref<4096xi32, #tpu.memory_space<vmem>>, vector<16xi32>,
    %broadcast_in_dim3A = arith.constant true
    %broadcast_in_dim3A_41 = vector.broadcast %broadcast_in_dim3A : i1 to vector<16xi1>
    %unique3A, %unique3A_42 = tpu.scan_count mask(%broadcast_in_dim3A_41 : vector<16xi1>) value(%get3A_40 : vector<16xi32>) : vector<16xi1>, vector<16xi32>
    %multiple_of3A_43 = arith.constant 16 : i32
    %multiple_of3A_44 = tpu.assume_multiple %multiple_of3A_43, 16 : i32
    %get3A_45 = arith.index_cast %multiple_of3A_44 : i32 to index
    %get3A_46 = tpu.vector_load %arg5[%get3A_45] {strides = array<i32>} : memref<4096xi32, #tpu.memory_space<vmem>>, vector<16xi32>,
    %broadcast_in_dim3A_47 = arith.constant true
    %broadcast_in_dim3A_48 = vector.broadcast %broadcast_in_dim3A_47 : i1 to vector<16xi1>
    %unique3A_49, %unique3A_50 = tpu.scan_count mask(%broadcast_in_dim3A_48 : vector<16xi1>) value(%get3A_46 : vector<16xi32>) : vector<16xi1>, vector<16xi32>
    %scan3A = arith.constant 0 : i32
    %scan3A_51 = arith.constant 64 : i32
    %scan3A_52 = arith.addi %scan3A, %scan3A_51 : i32
    %scan3A_53 = arith.constant 4 : i32
    %scan3A_54:4 = scf.for %scan3A_304 = %scan3A to %scan3A_52 step %scan3A_53 iter_args(%scan3A_305 = %get3A_40, %scan3A_306 = %unique3A, %scan3A_307 = %get3A_46, %scan3A_308 = %unique3A_49) -> (vector<16xi32>, vector<16xi1>, vector<16xi32>, vector<16xi1>)  : i32 {
      %add3A_309 = arith.constant 2 : i32
      %add3A_310 = arith.addi %scan3A_304, %add3A_309 : i32
      %min3A = arith.constant 63 : i32
      %min3A_311 = arith.minsi %add3A_310, %min3A : i32
      %mul3A_312 = arith.constant 16 : i32
      %mul3A_313 = arith.muli %min3A_311, %mul3A_312 : i32
      %multiple_of3A_314 = tpu.assume_multiple %mul3A_313, 16 : i32
      %get3A_315 = arith.index_cast %multiple_of3A_314 : i32 to index
      %get3A_316 = tpu.vector_load %arg5[%get3A_315] {strides = array<i32>} : memref<4096xi32, #tpu.memory_space<vmem>>, vector<16xi32>,
      %broadcast_in_dim3A_317 = arith.constant true
      %broadcast_in_dim3A_318 = vector.broadcast %broadcast_in_dim3A_317 : i1 to vector<16xi1>
      %unique3A_319, %unique3A_320 = tpu.scan_count mask(%broadcast_in_dim3A_318 : vector<16xi1>) value(%get3A_316 : vector<16xi32>) : vector<16xi1>, vector<16xi32>
      %mul3A_321 = arith.constant 16 : i32
      %mul3A_322 = arith.muli %scan3A_304, %mul3A_321 : i32
      %add3A_323 = vector.broadcast %mul3A_322 : i32 to vector<16xi32>
      %add3A_324 = arith.addi %add3A_323, %iota3A : vector<16xi32>
      tpu.vector_store_idx %arg6[%scan3A_305], %add3A_324 masked %scan3A_306 : memref<65536xi32, #tpu.memory_space<vmem>>[vector<16xi32>], vector<16xi32>, vector<16xi1>
      %scan3A_325 = arith.constant 1 : i32
      %scan3A_326 = arith.addi %scan3A_304, %scan3A_325 : i32
      %add3A_327 = arith.constant 2 : i32
      %add3A_328 = arith.addi %scan3A_326, %add3A_327 : i32
      %min3A_329 = arith.constant 63 : i32
      %min3A_330 = arith.minsi %add3A_328, %min3A_329 : i32
      %mul3A_331 = arith.constant 16 : i32
      %mul3A_332 = arith.muli %min3A_330, %mul3A_331 : i32
      %multiple_of3A_333 = tpu.assume_multiple %mul3A_332, 16 : i32
      %get3A_334 = arith.index_cast %multiple_of3A_333 : i32 to index
      %get3A_335 = tpu.vector_load %arg5[%get3A_334] {strides = array<i32>} : memref<4096xi32, #tpu.memory_space<vmem>>, vector<16xi32>,
      %broadcast_in_dim3A_336 = arith.constant true
      %broadcast_in_dim3A_337 = vector.broadcast %broadcast_in_dim3A_336 : i1 to vector<16xi1>
      %unique3A_338, %unique3A_339 = tpu.scan_count mask(%broadcast_in_dim3A_337 : vector<16xi1>) value(%get3A_335 : vector<16xi32>) : vector<16xi1>, vector<16xi32>
      %mul3A_340 = arith.constant 16 : i32
      %mul3A_341 = arith.muli %scan3A_326, %mul3A_340 : i32
      %add3A_342 = vector.broadcast %mul3A_341 : i32 to vector<16xi32>
      %add3A_343 = arith.addi %add3A_342, %iota3A : vector<16xi32>
      tpu.vector_store_idx %arg6[%scan3A_307], %add3A_343 masked %scan3A_308 : memref<65536xi32, #tpu.memory_space<vmem>>[vector<16xi32>], vector<16xi32>, vector<16xi1>
      %scan3A_344 = arith.constant 2 : i32
      %scan3A_345 = arith.addi %scan3A_304, %scan3A_344 : i32
      %add3A_346 = arith.constant 2 : i32
      %add3A_347 = arith.addi %scan3A_345, %add3A_346 : i32
      %min3A_348 = arith.constant 63 : i32
      %min3A_349 = arith.minsi %add3A_347, %min3A_348 : i32
      %mul3A_350 = arith.constant 16 : i32
      %mul3A_351 = arith.muli %min3A_349, %mul3A_350 : i32
      %multiple_of3A_352 = tpu.assume_multiple %mul3A_351, 16 : i32
      %get3A_353 = arith.index_cast %multiple_of3A_352 : i32 to index
      %get3A_354 = tpu.vector_load %arg5[%get3A_353] {strides = array<i32>} : memref<4096xi32, #tpu.memory_space<vmem>>, vector<16xi32>,
      %broadcast_in_dim3A_355 = arith.constant true
      %broadcast_in_dim3A_356 = vector.broadcast %broadcast_in_dim3A_355 : i1 to vector<16xi1>
      %unique3A_357, %unique3A_358 = tpu.scan_count mask(%broadcast_in_dim3A_356 : vector<16xi1>) value(%get3A_354 : vector<16xi32>) : vector<16xi1>, vector<16xi32>
      %mul3A_359 = arith.constant 16 : i32
      %mul3A_360 = arith.muli %scan3A_345, %mul3A_359 : i32
      %add3A_361 = vector.broadcast %mul3A_360 : i32 to vector<16xi32>
      %add3A_362 = arith.addi %add3A_361, %iota3A : vector<16xi32>
      tpu.vector_store_idx %arg6[%get3A_316], %add3A_362 masked %unique3A_319 : memref<65536xi32, #tpu.memory_space<vmem>>[vector<16xi32>], vector<16xi32>, vector<16xi1>
      %scan3A_363 = arith.constant 3 : i32
      %scan3A_364 = arith.addi %scan3A_304, %scan3A_363 : i32
      %add3A_365 = arith.constant 2 : i32
      %add3A_366 = arith.addi %scan3A_364, %add3A_365 : i32
      %min3A_367 = arith.constant 63 : i32
      %min3A_368 = arith.minsi %add3A_366, %min3A_367 : i32
      %mul3A_369 = arith.constant 16 : i32
      %mul3A_370 = arith.muli %min3A_368, %mul3A_369 : i32
      %multiple_of3A_371 = tpu.assume_multiple %mul3A_370, 16 : i32
      %get3A_372 = arith.index_cast %multiple_of3A_371 : i32 to index
      %get3A_373 = tpu.vector_load %arg5[%get3A_372] {strides = array<i32>} : memref<4096xi32, #tpu.memory_space<vmem>>, vector<16xi32>,
      %broadcast_in_dim3A_374 = arith.constant true
      %broadcast_in_dim3A_375 = vector.broadcast %broadcast_in_dim3A_374 : i1 to vector<16xi1>
      %unique3A_376, %unique3A_377 = tpu.scan_count mask(%broadcast_in_dim3A_375 : vector<16xi1>) value(%get3A_373 : vector<16xi32>) : vector<16xi1>, vector<16xi32>
      %mul3A_378 = arith.constant 16 : i32
      %mul3A_379 = arith.muli %scan3A_364, %mul3A_378 : i32
      %add3A_380 = vector.broadcast %mul3A_379 : i32 to vector<16xi32>
      %add3A_381 = arith.addi %add3A_380, %iota3A : vector<16xi32>
      tpu.vector_store_idx %arg6[%get3A_335], %add3A_381 masked %unique3A_338 : memref<65536xi32, #tpu.memory_space<vmem>>[vector<16xi32>], vector<16xi32>, vector<16xi1>
      scf.yield %get3A_354, %unique3A_357, %get3A_373, %unique3A_376 : vector<16xi32>, vector<16xi1>, vector<16xi32>, vector<16xi1>
    }
    %scan3A_55 = arith.constant 64 : i32
    %dma_wait3A_56 = arith.constant 1024 : i32
    %dma_wait3A_57 = tpu.memref_slice %arg5[%dma_wait3A_56] : memref<4096xi32, #tpu.memory_space<vmem>> -> memref<1024xi32, #tpu.memory_space<vmem>>
    %dma_wait3A_58 = arith.constant 1024 : i32
    %dma_wait3A_59 = tpu.memref_slice %arg2[%dma_wait3A_58] : memref<4096xi32, #tpu.memory_space<hbm>> -> memref<1024xi32, #tpu.memory_space<hbm>>
    %dma_wait3A_60 = arith.constant 1024 : i32
    %dma_wait3A_61 = tpu.memref_slice %arg5[%dma_wait3A_60] : memref<4096xi32, #tpu.memory_space<vmem>> -> memref<1024xi32, #tpu.memory_space<vmem>>
    %dma_wait3A_62 = arith.constant 1024 : i32
    %dma_wait3A_63 = tpu.memref_slice %arg2[%dma_wait3A_62] : memref<4096xi32, #tpu.memory_space<hbm>> -> memref<1024xi32, #tpu.memory_space<hbm>>
    tpu.wait_dma2 semaphore(%arg11 : memref<!tpu.dma_semaphore, #tpu.memory_space<semaphore_mem>>) src(%dma_wait3A_63 : memref<1024xi32, #tpu.memory_space<hbm>>) dst(%dma_wait3A_61 : memref<1024xi32, #tpu.memory_space<vmem>>)
    %multiple_of3A_64 = arith.constant 1024 : i32
    %multiple_of3A_65 = tpu.assume_multiple %multiple_of3A_64, 16 : i32
    %get3A_66 = arith.index_cast %multiple_of3A_65 : i32 to index
    %get3A_67 = tpu.vector_load %arg5[%get3A_66] {strides = array<i32>} : memref<4096xi32, #tpu.memory_space<vmem>>, vector<16xi32>,
    %broadcast_in_dim3A_68 = arith.constant true
    %broadcast_in_dim3A_69 = vector.broadcast %broadcast_in_dim3A_68 : i1 to vector<16xi1>
    %unique3A_70, %unique3A_71 = tpu.scan_count mask(%broadcast_in_dim3A_69 : vector<16xi1>) value(%get3A_67 : vector<16xi32>) : vector<16xi1>, vector<16xi32>
    %multiple_of3A_72 = arith.constant 1040 : i32
    %multiple_of3A_73 = tpu.assume_multiple %multiple_of3A_72, 16 : i32
    %get3A_74 = arith.index_cast %multiple_of3A_73 : i32 to index
    %get3A_75 = tpu.vector_load %arg5[%get3A_74] {strides = array<i32>} : memref<4096xi32, #tpu.memory_space<vmem>>, vector<16xi32>,
    %broadcast_in_dim3A_76 = arith.constant true
    %broadcast_in_dim3A_77 = vector.broadcast %broadcast_in_dim3A_76 : i1 to vector<16xi1>
    %unique3A_78, %unique3A_79 = tpu.scan_count mask(%broadcast_in_dim3A_77 : vector<16xi1>) value(%get3A_75 : vector<16xi32>) : vector<16xi1>, vector<16xi32>
    %scan3A_80 = arith.constant 64 : i32
    %scan3A_81 = arith.constant 64 : i32
    %scan3A_82 = arith.addi %scan3A_80, %scan3A_81 : i32
    %scan3A_83 = arith.constant 4 : i32
    %scan3A_84:4 = scf.for %scan3A_304 = %scan3A_80 to %scan3A_82 step %scan3A_83 iter_args(%scan3A_305 = %get3A_67, %scan3A_306 = %unique3A_70, %scan3A_307 = %get3A_75, %scan3A_308 = %unique3A_78) -> (vector<16xi32>, vector<16xi1>, vector<16xi32>, vector<16xi1>)  : i32 {
      %add3A_309 = arith.constant 2 : i32
      %add3A_310 = arith.addi %scan3A_304, %add3A_309 : i32
      %min3A = arith.constant 127 : i32
      %min3A_311 = arith.minsi %add3A_310, %min3A : i32
      %mul3A_312 = arith.constant 16 : i32
      %mul3A_313 = arith.muli %min3A_311, %mul3A_312 : i32
      %multiple_of3A_314 = tpu.assume_multiple %mul3A_313, 16 : i32
      %get3A_315 = arith.index_cast %multiple_of3A_314 : i32 to index
      %get3A_316 = tpu.vector_load %arg5[%get3A_315] {strides = array<i32>} : memref<4096xi32, #tpu.memory_space<vmem>>, vector<16xi32>,
      %broadcast_in_dim3A_317 = arith.constant true
      %broadcast_in_dim3A_318 = vector.broadcast %broadcast_in_dim3A_317 : i1 to vector<16xi1>
      %unique3A_319, %unique3A_320 = tpu.scan_count mask(%broadcast_in_dim3A_318 : vector<16xi1>) value(%get3A_316 : vector<16xi32>) : vector<16xi1>, vector<16xi32>
      %mul3A_321 = arith.constant 16 : i32
      %mul3A_322 = arith.muli %scan3A_304, %mul3A_321 : i32
      %add3A_323 = vector.broadcast %mul3A_322 : i32 to vector<16xi32>
      %add3A_324 = arith.addi %add3A_323, %iota3A : vector<16xi32>
      tpu.vector_store_idx %arg6[%scan3A_305], %add3A_324 masked %scan3A_306 : memref<65536xi32, #tpu.memory_space<vmem>>[vector<16xi32>], vector<16xi32>, vector<16xi1>
      %scan3A_325 = arith.constant 1 : i32
      %scan3A_326 = arith.addi %scan3A_304, %scan3A_325 : i32
      %add3A_327 = arith.constant 2 : i32
      %add3A_328 = arith.addi %scan3A_326, %add3A_327 : i32
      %min3A_329 = arith.constant 127 : i32
      %min3A_330 = arith.minsi %add3A_328, %min3A_329 : i32
      %mul3A_331 = arith.constant 16 : i32
      %mul3A_332 = arith.muli %min3A_330, %mul3A_331 : i32
      %multiple_of3A_333 = tpu.assume_multiple %mul3A_332, 16 : i32
      %get3A_334 = arith.index_cast %multiple_of3A_333 : i32 to index
      %get3A_335 = tpu.vector_load %arg5[%get3A_334] {strides = array<i32>} : memref<4096xi32, #tpu.memory_space<vmem>>, vector<16xi32>,
      %broadcast_in_dim3A_336 = arith.constant true
      %broadcast_in_dim3A_337 = vector.broadcast %broadcast_in_dim3A_336 : i1 to vector<16xi1>
      %unique3A_338, %unique3A_339 = tpu.scan_count mask(%broadcast_in_dim3A_337 : vector<16xi1>) value(%get3A_335 : vector<16xi32>) : vector<16xi1>, vector<16xi32>
      %mul3A_340 = arith.constant 16 : i32
      %mul3A_341 = arith.muli %scan3A_326, %mul3A_340 : i32
      %add3A_342 = vector.broadcast %mul3A_341 : i32 to vector<16xi32>
      %add3A_343 = arith.addi %add3A_342, %iota3A : vector<16xi32>
      tpu.vector_store_idx %arg6[%scan3A_307], %add3A_343 masked %scan3A_308 : memref<65536xi32, #tpu.memory_space<vmem>>[vector<16xi32>], vector<16xi32>, vector<16xi1>
      %scan3A_344 = arith.constant 2 : i32
      %scan3A_345 = arith.addi %scan3A_304, %scan3A_344 : i32
      %add3A_346 = arith.constant 2 : i32
      %add3A_347 = arith.addi %scan3A_345, %add3A_346 : i32
      %min3A_348 = arith.constant 127 : i32
      %min3A_349 = arith.minsi %add3A_347, %min3A_348 : i32
      %mul3A_350 = arith.constant 16 : i32
      %mul3A_351 = arith.muli %min3A_349, %mul3A_350 : i32
      %multiple_of3A_352 = tpu.assume_multiple %mul3A_351, 16 : i32
      %get3A_353 = arith.index_cast %multiple_of3A_352 : i32 to index
      %get3A_354 = tpu.vector_load %arg5[%get3A_353] {strides = array<i32>} : memref<4096xi32, #tpu.memory_space<vmem>>, vector<16xi32>,
      %broadcast_in_dim3A_355 = arith.constant true
      %broadcast_in_dim3A_356 = vector.broadcast %broadcast_in_dim3A_355 : i1 to vector<16xi1>
      %unique3A_357, %unique3A_358 = tpu.scan_count mask(%broadcast_in_dim3A_356 : vector<16xi1>) value(%get3A_354 : vector<16xi32>) : vector<16xi1>, vector<16xi32>
      %mul3A_359 = arith.constant 16 : i32
      %mul3A_360 = arith.muli %scan3A_345, %mul3A_359 : i32
      %add3A_361 = vector.broadcast %mul3A_360 : i32 to vector<16xi32>
      %add3A_362 = arith.addi %add3A_361, %iota3A : vector<16xi32>
      tpu.vector_store_idx %arg6[%get3A_316], %add3A_362 masked %unique3A_319 : memref<65536xi32, #tpu.memory_space<vmem>>[vector<16xi32>], vector<16xi32>, vector<16xi1>
      %scan3A_363 = arith.constant 3 : i32
      %scan3A_364 = arith.addi %scan3A_304, %scan3A_363 : i32
      %add3A_365 = arith.constant 2 : i32
      %add3A_366 = arith.addi %scan3A_364, %add3A_365 : i32
      %min3A_367 = arith.constant 127 : i32
      %min3A_368 = arith.minsi %add3A_366, %min3A_367 : i32
      %mul3A_369 = arith.constant 16 : i32
      %mul3A_370 = arith.muli %min3A_368, %mul3A_369 : i32
      %multiple_of3A_371 = tpu.assume_multiple %mul3A_370, 16 : i32
      %get3A_372 = arith.index_cast %multiple_of3A_371 : i32 to index
      %get3A_373 = tpu.vector_load %arg5[%get3A_372] {strides = array<i32>} : memref<4096xi32, #tpu.memory_space<vmem>>, vector<16xi32>,
      %broadcast_in_dim3A_374 = arith.constant true
      %broadcast_in_dim3A_375 = vector.broadcast %broadcast_in_dim3A_374 : i1 to vector<16xi1>
      %unique3A_376, %unique3A_377 = tpu.scan_count mask(%broadcast_in_dim3A_375 : vector<16xi1>) value(%get3A_373 : vector<16xi32>) : vector<16xi1>, vector<16xi32>
      %mul3A_378 = arith.constant 16 : i32
      %mul3A_379 = arith.muli %scan3A_364, %mul3A_378 : i32
      %add3A_380 = vector.broadcast %mul3A_379 : i32 to vector<16xi32>
      %add3A_381 = arith.addi %add3A_380, %iota3A : vector<16xi32>
      tpu.vector_store_idx %arg6[%get3A_335], %add3A_381 masked %unique3A_338 : memref<65536xi32, #tpu.memory_space<vmem>>[vector<16xi32>], vector<16xi32>, vector<16xi1>
      scf.yield %get3A_354, %unique3A_357, %get3A_373, %unique3A_376 : vector<16xi32>, vector<16xi1>, vector<16xi32>, vector<16xi1>
    }
    %scan3A_85 = arith.constant 64 : i32
    %dma_wait3A_86 = arith.constant 2048 : i32
    %dma_wait3A_87 = tpu.memref_slice %arg5[%dma_wait3A_86] : memref<4096xi32, #tpu.memory_space<vmem>> -> memref<1024xi32, #tpu.memory_space<vmem>>
    %dma_wait3A_88 = arith.constant 2048 : i32
    %dma_wait3A_89 = tpu.memref_slice %arg2[%dma_wait3A_88] : memref<4096xi32, #tpu.memory_space<hbm>> -> memref<1024xi32, #tpu.memory_space<hbm>>
    %dma_wait3A_90 = arith.constant 2048 : i32
    %dma_wait3A_91 = tpu.memref_slice %arg5[%dma_wait3A_90] : memref<4096xi32, #tpu.memory_space<vmem>> -> memref<1024xi32, #tpu.memory_space<vmem>>
    %dma_wait3A_92 = arith.constant 2048 : i32
    %dma_wait3A_93 = tpu.memref_slice %arg2[%dma_wait3A_92] : memref<4096xi32, #tpu.memory_space<hbm>> -> memref<1024xi32, #tpu.memory_space<hbm>>
    tpu.wait_dma2 semaphore(%arg11 : memref<!tpu.dma_semaphore, #tpu.memory_space<semaphore_mem>>) src(%dma_wait3A_93 : memref<1024xi32, #tpu.memory_space<hbm>>) dst(%dma_wait3A_91 : memref<1024xi32, #tpu.memory_space<vmem>>)
    %multiple_of3A_94 = arith.constant 2048 : i32
    %multiple_of3A_95 = tpu.assume_multiple %multiple_of3A_94, 16 : i32
    %get3A_96 = arith.index_cast %multiple_of3A_95 : i32 to index
    %get3A_97 = tpu.vector_load %arg5[%get3A_96] {strides = array<i32>} : memref<4096xi32, #tpu.memory_space<vmem>>, vector<16xi32>,
    %broadcast_in_dim3A_98 = arith.constant true
    %broadcast_in_dim3A_99 = vector.broadcast %broadcast_in_dim3A_98 : i1 to vector<16xi1>
    %unique3A_100, %unique3A_101 = tpu.scan_count mask(%broadcast_in_dim3A_99 : vector<16xi1>) value(%get3A_97 : vector<16xi32>) : vector<16xi1>, vector<16xi32>
    %multiple_of3A_102 = arith.constant 2064 : i32
    %multiple_of3A_103 = tpu.assume_multiple %multiple_of3A_102, 16 : i32
    %get3A_104 = arith.index_cast %multiple_of3A_103 : i32 to index
    %get3A_105 = tpu.vector_load %arg5[%get3A_104] {strides = array<i32>} : memref<4096xi32, #tpu.memory_space<vmem>>, vector<16xi32>,
    %broadcast_in_dim3A_106 = arith.constant true
    %broadcast_in_dim3A_107 = vector.broadcast %broadcast_in_dim3A_106 : i1 to vector<16xi1>
    %unique3A_108, %unique3A_109 = tpu.scan_count mask(%broadcast_in_dim3A_107 : vector<16xi1>) value(%get3A_105 : vector<16xi32>) : vector<16xi1>, vector<16xi32>
    %scan3A_110 = arith.constant 128 : i32
    %scan3A_111 = arith.constant 64 : i32
    %scan3A_112 = arith.addi %scan3A_110, %scan3A_111 : i32
    %scan3A_113 = arith.constant 4 : i32
    %scan3A_114:4 = scf.for %scan3A_304 = %scan3A_110 to %scan3A_112 step %scan3A_113 iter_args(%scan3A_305 = %get3A_97, %scan3A_306 = %unique3A_100, %scan3A_307 = %get3A_105, %scan3A_308 = %unique3A_108) -> (vector<16xi32>, vector<16xi1>, vector<16xi32>, vector<16xi1>)  : i32 {
      %add3A_309 = arith.constant 2 : i32
      %add3A_310 = arith.addi %scan3A_304, %add3A_309 : i32
      %min3A = arith.constant 191 : i32
      %min3A_311 = arith.minsi %add3A_310, %min3A : i32
      %mul3A_312 = arith.constant 16 : i32
      %mul3A_313 = arith.muli %min3A_311, %mul3A_312 : i32
      %multiple_of3A_314 = tpu.assume_multiple %mul3A_313, 16 : i32
      %get3A_315 = arith.index_cast %multiple_of3A_314 : i32 to index
      %get3A_316 = tpu.vector_load %arg5[%get3A_315] {strides = array<i32>} : memref<4096xi32, #tpu.memory_space<vmem>>, vector<16xi32>,
      %broadcast_in_dim3A_317 = arith.constant true
      %broadcast_in_dim3A_318 = vector.broadcast %broadcast_in_dim3A_317 : i1 to vector<16xi1>
      %unique3A_319, %unique3A_320 = tpu.scan_count mask(%broadcast_in_dim3A_318 : vector<16xi1>) value(%get3A_316 : vector<16xi32>) : vector<16xi1>, vector<16xi32>
      %mul3A_321 = arith.constant 16 : i32
      %mul3A_322 = arith.muli %scan3A_304, %mul3A_321 : i32
      %add3A_323 = vector.broadcast %mul3A_322 : i32 to vector<16xi32>
      %add3A_324 = arith.addi %add3A_323, %iota3A : vector<16xi32>
      tpu.vector_store_idx %arg6[%scan3A_305], %add3A_324 masked %scan3A_306 : memref<65536xi32, #tpu.memory_space<vmem>>[vector<16xi32>], vector<16xi32>, vector<16xi1>
      %scan3A_325 = arith.constant 1 : i32
      %scan3A_326 = arith.addi %scan3A_304, %scan3A_325 : i32
      %add3A_327 = arith.constant 2 : i32
      %add3A_328 = arith.addi %scan3A_326, %add3A_327 : i32
      %min3A_329 = arith.constant 191 : i32
      %min3A_330 = arith.minsi %add3A_328, %min3A_329 : i32
      %mul3A_331 = arith.constant 16 : i32
      %mul3A_332 = arith.muli %min3A_330, %mul3A_331 : i32
      %multiple_of3A_333 = tpu.assume_multiple %mul3A_332, 16 : i32
      %get3A_334 = arith.index_cast %multiple_of3A_333 : i32 to index
      %get3A_335 = tpu.vector_load %arg5[%get3A_334] {strides = array<i32>} : memref<4096xi32, #tpu.memory_space<vmem>>, vector<16xi32>,
      %broadcast_in_dim3A_336 = arith.constant true
      %broadcast_in_dim3A_337 = vector.broadcast %broadcast_in_dim3A_336 : i1 to vector<16xi1>
      %unique3A_338, %unique3A_339 = tpu.scan_count mask(%broadcast_in_dim3A_337 : vector<16xi1>) value(%get3A_335 : vector<16xi32>) : vector<16xi1>, vector<16xi32>
      %mul3A_340 = arith.constant 16 : i32
      %mul3A_341 = arith.muli %scan3A_326, %mul3A_340 : i32
      %add3A_342 = vector.broadcast %mul3A_341 : i32 to vector<16xi32>
      %add3A_343 = arith.addi %add3A_342, %iota3A : vector<16xi32>
      tpu.vector_store_idx %arg6[%scan3A_307], %add3A_343 masked %scan3A_308 : memref<65536xi32, #tpu.memory_space<vmem>>[vector<16xi32>], vector<16xi32>, vector<16xi1>
      %scan3A_344 = arith.constant 2 : i32
      %scan3A_345 = arith.addi %scan3A_304, %scan3A_344 : i32
      %add3A_346 = arith.constant 2 : i32
      %add3A_347 = arith.addi %scan3A_345, %add3A_346 : i32
      %min3A_348 = arith.constant 191 : i32
      %min3A_349 = arith.minsi %add3A_347, %min3A_348 : i32
      %mul3A_350 = arith.constant 16 : i32
      %mul3A_351 = arith.muli %min3A_349, %mul3A_350 : i32
      %multiple_of3A_352 = tpu.assume_multiple %mul3A_351, 16 : i32
      %get3A_353 = arith.index_cast %multiple_of3A_352 : i32 to index
      %get3A_354 = tpu.vector_load %arg5[%get3A_353] {strides = array<i32>} : memref<4096xi32, #tpu.memory_space<vmem>>, vector<16xi32>,
      %broadcast_in_dim3A_355 = arith.constant true
      %broadcast_in_dim3A_356 = vector.broadcast %broadcast_in_dim3A_355 : i1 to vector<16xi1>
      %unique3A_357, %unique3A_358 = tpu.scan_count mask(%broadcast_in_dim3A_356 : vector<16xi1>) value(%get3A_354 : vector<16xi32>) : vector<16xi1>, vector<16xi32>
      %mul3A_359 = arith.constant 16 : i32
      %mul3A_360 = arith.muli %scan3A_345, %mul3A_359 : i32
      %add3A_361 = vector.broadcast %mul3A_360 : i32 to vector<16xi32>
      %add3A_362 = arith.addi %add3A_361, %iota3A : vector<16xi32>
      tpu.vector_store_idx %arg6[%get3A_316], %add3A_362 masked %unique3A_319 : memref<65536xi32, #tpu.memory_space<vmem>>[vector<16xi32>], vector<16xi32>, vector<16xi1>
      %scan3A_363 = arith.constant 3 : i32
      %scan3A_364 = arith.addi %scan3A_304, %scan3A_363 : i32
      %add3A_365 = arith.constant 2 : i32
      %add3A_366 = arith.addi %scan3A_364, %add3A_365 : i32
      %min3A_367 = arith.constant 191 : i32
      %min3A_368 = arith.minsi %add3A_366, %min3A_367 : i32
      %mul3A_369 = arith.constant 16 : i32
      %mul3A_370 = arith.muli %min3A_368, %mul3A_369 : i32
      %multiple_of3A_371 = tpu.assume_multiple %mul3A_370, 16 : i32
      %get3A_372 = arith.index_cast %multiple_of3A_371 : i32 to index
      %get3A_373 = tpu.vector_load %arg5[%get3A_372] {strides = array<i32>} : memref<4096xi32, #tpu.memory_space<vmem>>, vector<16xi32>,
      %broadcast_in_dim3A_374 = arith.constant true
      %broadcast_in_dim3A_375 = vector.broadcast %broadcast_in_dim3A_374 : i1 to vector<16xi1>
      %unique3A_376, %unique3A_377 = tpu.scan_count mask(%broadcast_in_dim3A_375 : vector<16xi1>) value(%get3A_373 : vector<16xi32>) : vector<16xi1>, vector<16xi32>
      %mul3A_378 = arith.constant 16 : i32
      %mul3A_379 = arith.muli %scan3A_364, %mul3A_378 : i32
      %add3A_380 = vector.broadcast %mul3A_379 : i32 to vector<16xi32>
      %add3A_381 = arith.addi %add3A_380, %iota3A : vector<16xi32>
      tpu.vector_store_idx %arg6[%get3A_335], %add3A_381 masked %unique3A_338 : memref<65536xi32, #tpu.memory_space<vmem>>[vector<16xi32>], vector<16xi32>, vector<16xi1>
      scf.yield %get3A_354, %unique3A_357, %get3A_373, %unique3A_376 : vector<16xi32>, vector<16xi1>, vector<16xi32>, vector<16xi1>
    }
    %scan3A_115 = arith.constant 64 : i32
    %dma_wait3A_116 = arith.constant 3072 : i32
    %dma_wait3A_117 = tpu.memref_slice %arg5[%dma_wait3A_116] : memref<4096xi32, #tpu.memory_space<vmem>> -> memref<1024xi32, #tpu.memory_space<vmem>>
    %dma_wait3A_118 = arith.constant 3072 : i32
    %dma_wait3A_119 = tpu.memref_slice %arg2[%dma_wait3A_118] : memref<4096xi32, #tpu.memory_space<hbm>> -> memref<1024xi32, #tpu.memory_space<hbm>>
    %dma_wait3A_120 = arith.constant 3072 : i32
    %dma_wait3A_121 = tpu.memref_slice %arg5[%dma_wait3A_120] : memref<4096xi32, #tpu.memory_space<vmem>> -> memref<1024xi32, #tpu.memory_space<vmem>>
    %dma_wait3A_122 = arith.constant 3072 : i32
    %dma_wait3A_123 = tpu.memref_slice %arg2[%dma_wait3A_122] : memref<4096xi32, #tpu.memory_space<hbm>> -> memref<1024xi32, #tpu.memory_space<hbm>>
    tpu.wait_dma2 semaphore(%arg11 : memref<!tpu.dma_semaphore, #tpu.memory_space<semaphore_mem>>) src(%dma_wait3A_123 : memref<1024xi32, #tpu.memory_space<hbm>>) dst(%dma_wait3A_121 : memref<1024xi32, #tpu.memory_space<vmem>>)
    %multiple_of3A_124 = arith.constant 3072 : i32
    %multiple_of3A_125 = tpu.assume_multiple %multiple_of3A_124, 16 : i32
    %get3A_126 = arith.index_cast %multiple_of3A_125 : i32 to index
    %get3A_127 = tpu.vector_load %arg5[%get3A_126] {strides = array<i32>} : memref<4096xi32, #tpu.memory_space<vmem>>, vector<16xi32>,
    %broadcast_in_dim3A_128 = arith.constant true
    %broadcast_in_dim3A_129 = vector.broadcast %broadcast_in_dim3A_128 : i1 to vector<16xi1>
    %unique3A_130, %unique3A_131 = tpu.scan_count mask(%broadcast_in_dim3A_129 : vector<16xi1>) value(%get3A_127 : vector<16xi32>) : vector<16xi1>, vector<16xi32>
    %multiple_of3A_132 = arith.constant 3088 : i32
    %multiple_of3A_133 = tpu.assume_multiple %multiple_of3A_132, 16 : i32
    %get3A_134 = arith.index_cast %multiple_of3A_133 : i32 to index
    %get3A_135 = tpu.vector_load %arg5[%get3A_134] {strides = array<i32>} : memref<4096xi32, #tpu.memory_space<vmem>>, vector<16xi32>,
    %broadcast_in_dim3A_136 = arith.constant true
    %broadcast_in_dim3A_137 = vector.broadcast %broadcast_in_dim3A_136 : i1 to vector<16xi1>
    %unique3A_138, %unique3A_139 = tpu.scan_count mask(%broadcast_in_dim3A_137 : vector<16xi1>) value(%get3A_135 : vector<16xi32>) : vector<16xi1>, vector<16xi32>
    %scan3A_140 = arith.constant 192 : i32
    %scan3A_141 = arith.constant 64 : i32
    %scan3A_142 = arith.addi %scan3A_140, %scan3A_141 : i32
    %scan3A_143 = arith.constant 4 : i32
    %scan3A_144:4 = scf.for %scan3A_304 = %scan3A_140 to %scan3A_142 step %scan3A_143 iter_args(%scan3A_305 = %get3A_127, %scan3A_306 = %unique3A_130, %scan3A_307 = %get3A_135, %scan3A_308 = %unique3A_138) -> (vector<16xi32>, vector<16xi1>, vector<16xi32>, vector<16xi1>)  : i32 {
      %add3A_309 = arith.constant 2 : i32
      %add3A_310 = arith.addi %scan3A_304, %add3A_309 : i32
      %min3A = arith.constant 255 : i32
      %min3A_311 = arith.minsi %add3A_310, %min3A : i32
      %mul3A_312 = arith.constant 16 : i32
      %mul3A_313 = arith.muli %min3A_311, %mul3A_312 : i32
      %multiple_of3A_314 = tpu.assume_multiple %mul3A_313, 16 : i32
      %get3A_315 = arith.index_cast %multiple_of3A_314 : i32 to index
      %get3A_316 = tpu.vector_load %arg5[%get3A_315] {strides = array<i32>} : memref<4096xi32, #tpu.memory_space<vmem>>, vector<16xi32>,
      %broadcast_in_dim3A_317 = arith.constant true
      %broadcast_in_dim3A_318 = vector.broadcast %broadcast_in_dim3A_317 : i1 to vector<16xi1>
      %unique3A_319, %unique3A_320 = tpu.scan_count mask(%broadcast_in_dim3A_318 : vector<16xi1>) value(%get3A_316 : vector<16xi32>) : vector<16xi1>, vector<16xi32>
      %mul3A_321 = arith.constant 16 : i32
      %mul3A_322 = arith.muli %scan3A_304, %mul3A_321 : i32
      %add3A_323 = vector.broadcast %mul3A_322 : i32 to vector<16xi32>
      %add3A_324 = arith.addi %add3A_323, %iota3A : vector<16xi32>
      tpu.vector_store_idx %arg6[%scan3A_305], %add3A_324 masked %scan3A_306 : memref<65536xi32, #tpu.memory_space<vmem>>[vector<16xi32>], vector<16xi32>, vector<16xi1>
      %scan3A_325 = arith.constant 1 : i32
      %scan3A_326 = arith.addi %scan3A_304, %scan3A_325 : i32
      %add3A_327 = arith.constant 2 : i32
      %add3A_328 = arith.addi %scan3A_326, %add3A_327 : i32
      %min3A_329 = arith.constant 255 : i32
      %min3A_330 = arith.minsi %add3A_328, %min3A_329 : i32
      %mul3A_331 = arith.constant 16 : i32
      %mul3A_332 = arith.muli %min3A_330, %mul3A_331 : i32
      %multiple_of3A_333 = tpu.assume_multiple %mul3A_332, 16 : i32
      %get3A_334 = arith.index_cast %multiple_of3A_333 : i32 to index
      %get3A_335 = tpu.vector_load %arg5[%get3A_334] {strides = array<i32>} : memref<4096xi32, #tpu.memory_space<vmem>>, vector<16xi32>,
      %broadcast_in_dim3A_336 = arith.constant true
      %broadcast_in_dim3A_337 = vector.broadcast %broadcast_in_dim3A_336 : i1 to vector<16xi1>
      %unique3A_338, %unique3A_339 = tpu.scan_count mask(%broadcast_in_dim3A_337 : vector<16xi1>) value(%get3A_335 : vector<16xi32>) : vector<16xi1>, vector<16xi32>
      %mul3A_340 = arith.constant 16 : i32
      %mul3A_341 = arith.muli %scan3A_326, %mul3A_340 : i32
      %add3A_342 = vector.broadcast %mul3A_341 : i32 to vector<16xi32>
      %add3A_343 = arith.addi %add3A_342, %iota3A : vector<16xi32>
      tpu.vector_store_idx %arg6[%scan3A_307], %add3A_343 masked %scan3A_308 : memref<65536xi32, #tpu.memory_space<vmem>>[vector<16xi32>], vector<16xi32>, vector<16xi1>
      %scan3A_344 = arith.constant 2 : i32
      %scan3A_345 = arith.addi %scan3A_304, %scan3A_344 : i32
      %add3A_346 = arith.constant 2 : i32
      %add3A_347 = arith.addi %scan3A_345, %add3A_346 : i32
      %min3A_348 = arith.constant 255 : i32
      %min3A_349 = arith.minsi %add3A_347, %min3A_348 : i32
      %mul3A_350 = arith.constant 16 : i32
      %mul3A_351 = arith.muli %min3A_349, %mul3A_350 : i32
      %multiple_of3A_352 = tpu.assume_multiple %mul3A_351, 16 : i32
      %get3A_353 = arith.index_cast %multiple_of3A_352 : i32 to index
      %get3A_354 = tpu.vector_load %arg5[%get3A_353] {strides = array<i32>} : memref<4096xi32, #tpu.memory_space<vmem>>, vector<16xi32>,
      %broadcast_in_dim3A_355 = arith.constant true
      %broadcast_in_dim3A_356 = vector.broadcast %broadcast_in_dim3A_355 : i1 to vector<16xi1>
      %unique3A_357, %unique3A_358 = tpu.scan_count mask(%broadcast_in_dim3A_356 : vector<16xi1>) value(%get3A_354 : vector<16xi32>) : vector<16xi1>, vector<16xi32>
      %mul3A_359 = arith.constant 16 : i32
      %mul3A_360 = arith.muli %scan3A_345, %mul3A_359 : i32
      %add3A_361 = vector.broadcast %mul3A_360 : i32 to vector<16xi32>
      %add3A_362 = arith.addi %add3A_361, %iota3A : vector<16xi32>
      tpu.vector_store_idx %arg6[%get3A_316], %add3A_362 masked %unique3A_319 : memref<65536xi32, #tpu.memory_space<vmem>>[vector<16xi32>], vector<16xi32>, vector<16xi1>
      %scan3A_363 = arith.constant 3 : i32
      %scan3A_364 = arith.addi %scan3A_304, %scan3A_363 : i32
      %add3A_365 = arith.constant 2 : i32
      %add3A_366 = arith.addi %scan3A_364, %add3A_365 : i32
      %min3A_367 = arith.constant 255 : i32
      %min3A_368 = arith.minsi %add3A_366, %min3A_367 : i32
      %mul3A_369 = arith.constant 16 : i32
      %mul3A_370 = arith.muli %min3A_368, %mul3A_369 : i32
      %multiple_of3A_371 = tpu.assume_multiple %mul3A_370, 16 : i32
      %get3A_372 = arith.index_cast %multiple_of3A_371 : i32 to index
      %get3A_373 = tpu.vector_load %arg5[%get3A_372] {strides = array<i32>} : memref<4096xi32, #tpu.memory_space<vmem>>, vector<16xi32>,
      %broadcast_in_dim3A_374 = arith.constant true
      %broadcast_in_dim3A_375 = vector.broadcast %broadcast_in_dim3A_374 : i1 to vector<16xi1>
      %unique3A_376, %unique3A_377 = tpu.scan_count mask(%broadcast_in_dim3A_375 : vector<16xi1>) value(%get3A_373 : vector<16xi32>) : vector<16xi1>, vector<16xi32>
      %mul3A_378 = arith.constant 16 : i32
      %mul3A_379 = arith.muli %scan3A_364, %mul3A_378 : i32
      %add3A_380 = vector.broadcast %mul3A_379 : i32 to vector<16xi32>
      %add3A_381 = arith.addi %add3A_380, %iota3A : vector<16xi32>
      tpu.vector_store_idx %arg6[%get3A_335], %add3A_381 masked %unique3A_338 : memref<65536xi32, #tpu.memory_space<vmem>>[vector<16xi32>], vector<16xi32>, vector<16xi1>
      scf.yield %get3A_354, %unique3A_357, %get3A_373, %unique3A_376 : vector<16xi32>, vector<16xi1>, vector<16xi32>, vector<16xi1>
    }
    %scan3A_145 = arith.constant 64 : i32
    %mul3A_146 = arith.constant 128 : i32
    %mul3A_147 = arith.muli %add3A, %mul3A_146 : i32
    %add3A_148 = arith.constant 0 : i32
    %add3A_149 = arith.addi %mul3A_147, %add3A_148 : i32
    %multiple_of3A_150 = tpu.assume_multiple %add3A_149, 16 : i32
    %get3A_151 = arith.index_cast %multiple_of3A_150 : i32 to index
    %get3A_152 = tpu.vector_load %arg5[%get3A_151] {strides = array<i32>} : memref<4096xi32, #tpu.memory_space<vmem>>, vector<16xi32>,
    %gather3A = tpu.vector_load_idx %arg6[%get3A_152] : memref<65536xi32, #tpu.memory_space<vmem>>[vector<16xi32>], vector<16xi32>,
    %swap3A = arith.constant 0 : index
    %swap3A_153 = tpu.vector_load %arg7[%swap3A] {strides = array<i32>} : memref<128xi32, #tpu.memory_space<vmem>>, vector<16xi32>,
    tpu.vector_store %arg7[%swap3A], %gather3A {strides = array<i32>} : memref<128xi32, #tpu.memory_space<vmem>>, vector<16xi32>,
    %mul3A_154 = arith.constant 128 : i32
    %mul3A_155 = arith.muli %add3A, %mul3A_154 : i32
    %add3A_156 = arith.constant 16 : i32
    %add3A_157 = arith.addi %mul3A_155, %add3A_156 : i32
    %multiple_of3A_158 = tpu.assume_multiple %add3A_157, 16 : i32
    %get3A_159 = arith.index_cast %multiple_of3A_158 : i32 to index
    %get3A_160 = tpu.vector_load %arg5[%get3A_159] {strides = array<i32>} : memref<4096xi32, #tpu.memory_space<vmem>>, vector<16xi32>,
    %gather3A_161 = tpu.vector_load_idx %arg6[%get3A_160] : memref<65536xi32, #tpu.memory_space<vmem>>[vector<16xi32>], vector<16xi32>,
    %swap3A_162 = arith.constant 16 : index
    %swap3A_163 = tpu.vector_load %arg7[%swap3A_162] {strides = array<i32>} : memref<128xi32, #tpu.memory_space<vmem>>, vector<16xi32>,
    tpu.vector_store %arg7[%swap3A_162], %gather3A_161 {strides = array<i32>} : memref<128xi32, #tpu.memory_space<vmem>>, vector<16xi32>,
    %mul3A_164 = arith.constant 128 : i32
    %mul3A_165 = arith.muli %add3A, %mul3A_164 : i32
    %add3A_166 = arith.constant 32 : i32
    %add3A_167 = arith.addi %mul3A_165, %add3A_166 : i32
    %multiple_of3A_168 = tpu.assume_multiple %add3A_167, 16 : i32
    %get3A_169 = arith.index_cast %multiple_of3A_168 : i32 to index
    %get3A_170 = tpu.vector_load %arg5[%get3A_169] {strides = array<i32>} : memref<4096xi32, #tpu.memory_space<vmem>>, vector<16xi32>,
    %gather3A_171 = tpu.vector_load_idx %arg6[%get3A_170] : memref<65536xi32, #tpu.memory_space<vmem>>[vector<16xi32>], vector<16xi32>,
    %swap3A_172 = arith.constant 32 : index
    %swap3A_173 = tpu.vector_load %arg7[%swap3A_172] {strides = array<i32>} : memref<128xi32, #tpu.memory_space<vmem>>, vector<16xi32>,
    tpu.vector_store %arg7[%swap3A_172], %gather3A_171 {strides = array<i32>} : memref<128xi32, #tpu.memory_space<vmem>>, vector<16xi32>,
    %mul3A_174 = arith.constant 128 : i32
    %mul3A_175 = arith.muli %add3A, %mul3A_174 : i32
    %add3A_176 = arith.constant 48 : i32
    %add3A_177 = arith.addi %mul3A_175, %add3A_176 : i32
    %multiple_of3A_178 = tpu.assume_multiple %add3A_177, 16 : i32
    %get3A_179 = arith.index_cast %multiple_of3A_178 : i32 to index
    %get3A_180 = tpu.vector_load %arg5[%get3A_179] {strides = array<i32>} : memref<4096xi32, #tpu.memory_space<vmem>>, vector<16xi32>,
    %gather3A_181 = tpu.vector_load_idx %arg6[%get3A_180] : memref<65536xi32, #tpu.memory_space<vmem>>[vector<16xi32>], vector<16xi32>,
    %swap3A_182 = arith.constant 48 : index
    %swap3A_183 = tpu.vector_load %arg7[%swap3A_182] {strides = array<i32>} : memref<128xi32, #tpu.memory_space<vmem>>, vector<16xi32>,
    tpu.vector_store %arg7[%swap3A_182], %gather3A_181 {strides = array<i32>} : memref<128xi32, #tpu.memory_space<vmem>>, vector<16xi32>,
    %mul3A_184 = arith.constant 128 : i32
    %mul3A_185 = arith.muli %add3A, %mul3A_184 : i32
    %add3A_186 = arith.constant 64 : i32
    %add3A_187 = arith.addi %mul3A_185, %add3A_186 : i32
    %multiple_of3A_188 = tpu.assume_multiple %add3A_187, 16 : i32
    %get3A_189 = arith.index_cast %multiple_of3A_188 : i32 to index
    %get3A_190 = tpu.vector_load %arg5[%get3A_189] {strides = array<i32>} : memref<4096xi32, #tpu.memory_space<vmem>>, vector<16xi32>,
    %gather3A_191 = tpu.vector_load_idx %arg6[%get3A_190] : memref<65536xi32, #tpu.memory_space<vmem>>[vector<16xi32>], vector<16xi32>,
    %swap3A_192 = arith.constant 64 : index
    %swap3A_193 = tpu.vector_load %arg7[%swap3A_192] {strides = array<i32>} : memref<128xi32, #tpu.memory_space<vmem>>, vector<16xi32>,
    tpu.vector_store %arg7[%swap3A_192], %gather3A_191 {strides = array<i32>} : memref<128xi32, #tpu.memory_space<vmem>>, vector<16xi32>,
    %mul3A_194 = arith.constant 128 : i32
    %mul3A_195 = arith.muli %add3A, %mul3A_194 : i32
    %add3A_196 = arith.constant 80 : i32
    %add3A_197 = arith.addi %mul3A_195, %add3A_196 : i32
    %multiple_of3A_198 = tpu.assume_multiple %add3A_197, 16 : i32
    %get3A_199 = arith.index_cast %multiple_of3A_198 : i32 to index
    %get3A_200 = tpu.vector_load %arg5[%get3A_199] {strides = array<i32>} : memref<4096xi32, #tpu.memory_space<vmem>>, vector<16xi32>,
    %gather3A_201 = tpu.vector_load_idx %arg6[%get3A_200] : memref<65536xi32, #tpu.memory_space<vmem>>[vector<16xi32>], vector<16xi32>,
    %swap3A_202 = arith.constant 80 : index
    %swap3A_203 = tpu.vector_load %arg7[%swap3A_202] {strides = array<i32>} : memref<128xi32, #tpu.memory_space<vmem>>, vector<16xi32>,
    tpu.vector_store %arg7[%swap3A_202], %gather3A_201 {strides = array<i32>} : memref<128xi32, #tpu.memory_space<vmem>>, vector<16xi32>,
    %mul3A_204 = arith.constant 128 : i32
    %mul3A_205 = arith.muli %add3A, %mul3A_204 : i32
    %add3A_206 = arith.constant 96 : i32
    %add3A_207 = arith.addi %mul3A_205, %add3A_206 : i32
    %multiple_of3A_208 = tpu.assume_multiple %add3A_207, 16 : i32
    %get3A_209 = arith.index_cast %multiple_of3A_208 : i32 to index
    %get3A_210 = tpu.vector_load %arg5[%get3A_209] {strides = array<i32>} : memref<4096xi32, #tpu.memory_space<vmem>>, vector<16xi32>,
    %gather3A_211 = tpu.vector_load_idx %arg6[%get3A_210] : memref<65536xi32, #tpu.memory_space<vmem>>[vector<16xi32>], vector<16xi32>,
    %swap3A_212 = arith.constant 96 : index
    %swap3A_213 = tpu.vector_load %arg7[%swap3A_212] {strides = array<i32>} : memref<128xi32, #tpu.memory_space<vmem>>, vector<16xi32>,
    tpu.vector_store %arg7[%swap3A_212], %gather3A_211 {strides = array<i32>} : memref<128xi32, #tpu.memory_space<vmem>>, vector<16xi32>,
    %mul3A_214 = arith.constant 128 : i32
    %mul3A_215 = arith.muli %add3A, %mul3A_214 : i32
    %add3A_216 = arith.constant 112 : i32
    %add3A_217 = arith.addi %mul3A_215, %add3A_216 : i32
    %multiple_of3A_218 = tpu.assume_multiple %add3A_217, 16 : i32
    %get3A_219 = arith.index_cast %multiple_of3A_218 : i32 to index
    %get3A_220 = tpu.vector_load %arg5[%get3A_219] {strides = array<i32>} : memref<4096xi32, #tpu.memory_space<vmem>>, vector<16xi32>,
    %gather3A_221 = tpu.vector_load_idx %arg6[%get3A_220] : memref<65536xi32, #tpu.memory_space<vmem>>[vector<16xi32>], vector<16xi32>,
    %swap3A_222 = arith.constant 112 : index
    %swap3A_223 = tpu.vector_load %arg7[%swap3A_222] {strides = array<i32>} : memref<128xi32, #tpu.memory_space<vmem>>, vector<16xi32>,
    tpu.vector_store %arg7[%swap3A_222], %gather3A_221 {strides = array<i32>} : memref<128xi32, #tpu.memory_space<vmem>>, vector<16xi32>,
    %dma_start3A_224 = arith.constant 0 : i32
    %dma_start3A_225 = arith.constant 0 : i32
    %dma_start3A_226 = tpu.memref_slice %arg8[%dma_start3A_224, %dma_start3A_225] : memref<128x256xf32, #tpu.memory_space<vmem>> -> memref<64x256xf32, #tpu.memory_space<vmem>>
    %dma_start3A_227 = arith.constant 0 : i32
    %dma_start3A_228 = tpu.memref_slice %arg7[%dma_start3A_227] : memref<128xi32, #tpu.memory_space<vmem>> -> memref<64xi32, #tpu.memory_space<vmem>>
    %dma_start3A_229 = arith.constant 0 : i32
    %dma_start3A_230 = arith.constant 0 : i32
    %dma_start3A_231 = tpu.memref_slice %arg3[%dma_start3A_229, %dma_start3A_230] : memref<4096x256xf32, #tpu.memory_space<hbm>> -> memref<4096x256xf32, #tpu.memory_space<hbm>>
    tpu.enqueue_indirect_dma source(%dma_start3A_231 : memref<4096x256xf32, #tpu.memory_space<hbm>>) target(%dma_start3A_226 : memref<64x256xf32, #tpu.memory_space<vmem>>) offsets(%dma_start3A_228 : memref<64xi32, #tpu.memory_space<vmem>>) semaphore(%arg9 : memref<!tpu.dma_semaphore, #tpu.memory_space<semaphore_mem>>)
    %dma_start3A_232 = arith.constant 64 : i32
    %dma_start3A_233 = arith.constant 0 : i32
    %dma_start3A_234 = tpu.memref_slice %arg8[%dma_start3A_232, %dma_start3A_233] : memref<128x256xf32, #tpu.memory_space<vmem>> -> memref<64x256xf32, #tpu.memory_space<vmem>>
    %dma_start3A_235 = arith.constant 64 : i32
    %dma_start3A_236 = tpu.memref_slice %arg7[%dma_start3A_235] : memref<128xi32, #tpu.memory_space<vmem>> -> memref<64xi32, #tpu.memory_space<vmem>>
    %dma_start3A_237 = arith.constant 0 : i32
    %dma_start3A_238 = arith.constant 0 : i32
    %dma_start3A_239 = tpu.memref_slice %arg3[%dma_start3A_237, %dma_start3A_238] : memref<4096x256xf32, #tpu.memory_space<hbm>> -> memref<4096x256xf32, #tpu.memory_space<hbm>>
    tpu.enqueue_indirect_dma source(%dma_start3A_239 : memref<4096x256xf32, #tpu.memory_space<hbm>>) target(%dma_start3A_234 : memref<64x256xf32, #tpu.memory_space<vmem>>) offsets(%dma_start3A_236 : memref<64xi32, #tpu.memory_space<vmem>>) semaphore(%arg9 : memref<!tpu.dma_semaphore, #tpu.memory_space<semaphore_mem>>)
    %dma_wait3A_240 = arith.constant 0 : i32
    %dma_wait3A_241 = arith.constant 0 : i32
    %dma_wait3A_242 = tpu.memref_slice %arg8[%dma_wait3A_240, %dma_wait3A_241] : memref<128x256xf32, #tpu.memory_space<vmem>> -> memref<64x256xf32, #tpu.memory_space<vmem>>
    %dma_wait3A_243 = arith.constant 0 : i32
    %dma_wait3A_244 = tpu.memref_slice %arg7[%dma_wait3A_243] : memref<128xi32, #tpu.memory_space<vmem>> -> memref<64xi32, #tpu.memory_space<vmem>>
    %dma_wait3A_245 = arith.constant 0 : i32
    %dma_wait3A_246 = arith.constant 0 : i32
    %dma_wait3A_247 = tpu.memref_slice %arg3[%dma_wait3A_245, %dma_wait3A_246] : memref<4096x256xf32, #tpu.memory_space<hbm>> -> memref<4096x256xf32, #tpu.memory_space<hbm>>
    tpu.wait_indirect_dma semaphore(%arg9 : memref<!tpu.dma_semaphore, #tpu.memory_space<semaphore_mem>>) src(%dma_wait3A_247 : memref<4096x256xf32, #tpu.memory_space<hbm>>) dst(%dma_wait3A_242 : memref<64x256xf32, #tpu.memory_space<vmem>>)
    %mul3A_248 = arith.constant 128 : i32
    %mul3A_249 = arith.muli %add3A, %mul3A_248 : i32
    %add3A_250 = arith.constant 0 : i32
    %add3A_251 = arith.addi %mul3A_249, %add3A_250 : i32
    %dma_start3A_252 = arith.constant 0 : i32
    %dma_start3A_253 = arith.constant 0 : i32
    %dma_start3A_254 = tpu.memref_slice %arg8[%dma_start3A_252, %dma_start3A_253] : memref<128x256xf32, #tpu.memory_space<vmem>> -> memref<64x256xf32, #tpu.memory_space<vmem>>
    %dma_start3A_255 = arith.constant 0 : i32
    %dma_start3A_256 = tpu.memref_slice %arg4[%add3A_251, %dma_start3A_255] : memref<4096x256xf32, #tpu.memory_space<hbm>> -> memref<64x256xf32, #tpu.memory_space<hbm>>
    %dma_start3A_257 = arith.constant 0 : i32
    %dma_start3A_258 = tpu.memref_slice %arg4[%add3A_251, %dma_start3A_257] : memref<4096x256xf32, #tpu.memory_space<hbm>> -> memref<64x256xf32, #tpu.memory_space<hbm>>
    %dma_start3A_259 = arith.constant 0 : i32
    %dma_start3A_260 = arith.constant 0 : i32
    %dma_start3A_261 = tpu.memref_slice %arg8[%dma_start3A_259, %dma_start3A_260] : memref<128x256xf32, #tpu.memory_space<vmem>> -> memref<64x256xf32, #tpu.memory_space<vmem>>
    tpu.enqueue_dma source(%dma_start3A_261 : memref<64x256xf32, #tpu.memory_space<vmem>>) target(%dma_start3A_258 : memref<64x256xf32, #tpu.memory_space<hbm>>) target_semaphore(%arg10 : memref<!tpu.dma_semaphore, #tpu.memory_space<semaphore_mem>>)
    %dma_wait3A_262 = arith.constant 64 : i32
    %dma_wait3A_263 = arith.constant 0 : i32
    %dma_wait3A_264 = tpu.memref_slice %arg8[%dma_wait3A_262, %dma_wait3A_263] : memref<128x256xf32, #tpu.memory_space<vmem>> -> memref<64x256xf32, #tpu.memory_space<vmem>>
    %dma_wait3A_265 = arith.constant 64 : i32
    %dma_wait3A_266 = tpu.memref_slice %arg7[%dma_wait3A_265] : memref<128xi32, #tpu.memory_space<vmem>> -> memref<64xi32, #tpu.memory_space<vmem>>
    %dma_wait3A_267 = arith.constant 0 : i32
    %dma_wait3A_268 = arith.constant 0 : i32
    %dma_wait3A_269 = tpu.memref_slice %arg3[%dma_wait3A_267, %dma_wait3A_268] : memref<4096x256xf32, #tpu.memory_space<hbm>> -> memref<4096x256xf32, #tpu.memory_space<hbm>>
    tpu.wait_indirect_dma semaphore(%arg9 : memref<!tpu.dma_semaphore, #tpu.memory_space<semaphore_mem>>) src(%dma_wait3A_269 : memref<4096x256xf32, #tpu.memory_space<hbm>>) dst(%dma_wait3A_264 : memref<64x256xf32, #tpu.memory_space<vmem>>)
    %mul3A_270 = arith.constant 128 : i32
    %mul3A_271 = arith.muli %add3A, %mul3A_270 : i32
    %add3A_272 = arith.constant 64 : i32
    %add3A_273 = arith.addi %mul3A_271, %add3A_272 : i32
    %dma_start3A_274 = arith.constant 64 : i32
    %dma_start3A_275 = arith.constant 0 : i32
    %dma_start3A_276 = tpu.memref_slice %arg8[%dma_start3A_274, %dma_start3A_275] : memref<128x256xf32, #tpu.memory_space<vmem>> -> memref<64x256xf32, #tpu.memory_space<vmem>>
    %dma_start3A_277 = arith.constant 0 : i32
    %dma_start3A_278 = tpu.memref_slice %arg4[%add3A_273, %dma_start3A_277] : memref<4096x256xf32, #tpu.memory_space<hbm>> -> memref<64x256xf32, #tpu.memory_space<hbm>>
    %dma_start3A_279 = arith.constant 0 : i32
    %dma_start3A_280 = tpu.memref_slice %arg4[%add3A_273, %dma_start3A_279] : memref<4096x256xf32, #tpu.memory_space<hbm>> -> memref<64x256xf32, #tpu.memory_space<hbm>>
    %dma_start3A_281 = arith.constant 64 : i32
    %dma_start3A_282 = arith.constant 0 : i32
    %dma_start3A_283 = tpu.memref_slice %arg8[%dma_start3A_281, %dma_start3A_282] : memref<128x256xf32, #tpu.memory_space<vmem>> -> memref<64x256xf32, #tpu.memory_space<vmem>>
    tpu.enqueue_dma source(%dma_start3A_283 : memref<64x256xf32, #tpu.memory_space<vmem>>) target(%dma_start3A_280 : memref<64x256xf32, #tpu.memory_space<hbm>>) target_semaphore(%arg10 : memref<!tpu.dma_semaphore, #tpu.memory_space<semaphore_mem>>)
    %dma_wait3A_284 = arith.constant 0 : i32
    %dma_wait3A_285 = arith.constant 0 : i32
    %dma_wait3A_286 = tpu.memref_slice %arg8[%dma_wait3A_284, %dma_wait3A_285] : memref<128x256xf32, #tpu.memory_space<vmem>> -> memref<64x256xf32, #tpu.memory_space<vmem>>
    %dma_wait3A_287 = arith.constant 0 : i32
    %dma_wait3A_288 = tpu.memref_slice %arg4[%add3A_251, %dma_wait3A_287] : memref<4096x256xf32, #tpu.memory_space<hbm>> -> memref<64x256xf32, #tpu.memory_space<hbm>>
    %dma_wait3A_289 = arith.constant 0 : i32
    %dma_wait3A_290 = tpu.memref_slice %arg4[%add3A_251, %dma_wait3A_289] : memref<4096x256xf32, #tpu.memory_space<hbm>> -> memref<64x256xf32, #tpu.memory_space<hbm>>
    %dma_wait3A_291 = arith.constant 0 : i32
    %dma_wait3A_292 = arith.constant 0 : i32
    %dma_wait3A_293 = tpu.memref_slice %arg8[%dma_wait3A_291, %dma_wait3A_292] : memref<128x256xf32, #tpu.memory_space<vmem>> -> memref<64x256xf32, #tpu.memory_space<vmem>>
    tpu.wait_dma2 semaphore(%arg10 : memref<!tpu.dma_semaphore, #tpu.memory_space<semaphore_mem>>) src(%dma_wait3A_293 : memref<64x256xf32, #tpu.memory_space<vmem>>) dst(%dma_wait3A_290 : memref<64x256xf32, #tpu.memory_space<hbm>>)
    %dma_wait3A_294 = arith.constant 64 : i32
    %dma_wait3A_295 = arith.constant 0 : i32
    %dma_wait3A_296 = tpu.memref_slice %arg8[%dma_wait3A_294, %dma_wait3A_295] : memref<128x256xf32, #tpu.memory_space<vmem>> -> memref<64x256xf32, #tpu.memory_space<vmem>>
    %dma_wait3A_297 = arith.constant 0 : i32
    %dma_wait3A_298 = tpu.memref_slice %arg4[%add3A_273, %dma_wait3A_297] : memref<4096x256xf32, #tpu.memory_space<hbm>> -> memref<64x256xf32, #tpu.memory_space<hbm>>
    %dma_wait3A_299 = arith.constant 0 : i32
    %dma_wait3A_300 = tpu.memref_slice %arg4[%add3A_273, %dma_wait3A_299] : memref<4096x256xf32, #tpu.memory_space<hbm>> -> memref<64x256xf32, #tpu.memory_space<hbm>>
    %dma_wait3A_301 = arith.constant 64 : i32
    %dma_wait3A_302 = arith.constant 0 : i32
    %dma_wait3A_303 = tpu.memref_slice %arg8[%dma_wait3A_301, %dma_wait3A_302] : memref<128x256xf32, #tpu.memory_space<vmem>> -> memref<64x256xf32, #tpu.memory_space<vmem>>
    tpu.wait_dma2 semaphore(%arg10 : memref<!tpu.dma_semaphore, #tpu.memory_space<semaphore_mem>>) src(%dma_wait3A_303 : memref<64x256xf32, #tpu.memory_space<vmem>>) dst(%dma_wait3A_300 : memref<64x256xf32, #tpu.memory_space<hbm>>)
    return
  }
}

</mosaic_0001>

<sc_bundles>
// kernel: kernel.3.cloned.1.call-start
scs
__scs_entry_jumppad:
0x0: {  	(pc) =	sbr.rel $0x88, $3  }
0x1: {  	(tag) =	ssettag $0x0;
	lr =	simm.s32 $0x1  }
0x2: {  	[smem:$0x3F9F] =	sst lr;
	_ =	strace $0xD0000000  }
0x3: {  	_ = 	snop  }
0x4: {  	_ = 	snop  }
0x5: {  	_ = 	snop  }
0x6: {  	_ = 	snop  }
0x7: {  	_ = 	snop  }
__scs_overlays_trampoline_lowered:
0x8: {  	[smem:$0x3FAE] =	sst s0  }
0x9: {  	[smem:$0x3FAF] =	sst s1  }
0xa: {  	[smem:$0x3FB0] =	sst s2  }
0xb: {  	[smem:$0x3FB1] =	sst s3  }
0xc: {  	[smem:$0x3FB2] =	sst s4  }
0xd: {  	[smem:$0x3FB3] =	sst s5  }
0xe: {  	[smem:$0x3FB4] =	sst s6  }
0xf: {  	[smem:$0x3FB5] =	sst s7  }
0x10: {  	[smem:$0x3FB6] =	sst s8  }
0x11: {  	[smem:$0x3FB7] =	sst s9;
	s0 =	simm.s32 @!p0 $0x0  }
0x12: {  	s1 =	sld [smem:$0x3F9D];
	s0 =	simm.s32 @p0 $0x1  }
0x13: {  	[smem:$0x3FB8] =	sst s0;
	s0 =	simm.s32 @!p1 $0x0  }
0x14: {  	s2 =	sld [smem:$0x3F9C];
	s0 =	simm.s32 @p1 $0x1  }
0x15: {  	[smem:$0x3FB9] =	sst s0;
	s0 =	simm.s32 @!p2 $0x0  }
0x16: {  	s3 =	sld [smem:$0x3FDB];
	s0 =	simm.s32 @p2 $0x1  }
0x17: {  	s4 =	simm.s32 $0x1BF5;
	[smem:$0x3FBB] =	sst s0  }
0x18: {  	s0 =	sld [smem:$0x3F9E];
	_ =	swait.ge [sflag:s4], $0x0  }
0x19: {  	s7 =	sld [smem:$0x3F9F]  }
0x1a: {  	s8 =	sadd.s32 $0xFFFFE003, lr  }
0x1b: {  	s9 =	sadd.s32 $0xFFFFFEF7, lr;
	s5 =	simm.s32 $0xFFFFFFFF;
	p2 =	slt.u32 s8, $0xFFFFF086  }
0x1c: {  	p1 =	slt.u32 s9, $0xF7A;
	s5 =	simm.s32 @!p2 $0x0  }
0x1d: {  	s5 =	simm.s32 @p1 $0x1;
	p0 =	seq.s32 s7, s2  }
0x1e: {  	s7 =	smul.u32 @!p0 $0xF7A, s2;
	p2 =	seq.s32 @!p0 s5, $0x0  }
0x1f: {  	s9 =	smul.u32 $0xF7A, s1;
	s8 =	simm.s32 @!p0 $0x1BF5;
	p2 =	por !p2, p0  }
0x20: {  	[sflag:s8] =	ssyncset.s32 @!p0 $0xFFFFF086;
	s6 =	sadd.s32 @!p0 s3, s7;
	s7 =	simm.s32 @!p0 $0x108  }
0x21: {  	s3 =	sadd.s32 s3, s9;
	s6 =	sadd.s32 @!p0 $0x88, s6;
	s7 =	simm.s32 @p2 $0x1082  }
0x22: {  	[simem:s7], [sflag:s8] =	dma.local @!p0 [hbm:s6], $0xF7A  }
0x23: {  	s9 =	sor.u32 $0xD0000000, s2;
	s6 =	simm.s32 $0x108;
	_ =	swait.ge @!p0 [sflag:s8], $0x0  }
0x24: {  	s3 =	sadd.s32 $0x88, s3;
	s6 =	simm.s32 @!p1 $0x1082;
	[sflag:s4] =	ssyncset.s32 $0xFFFFF086  }
0x25: {  	[simem:s6], [sflag:s4] =	dma.local [hbm:s3], $0xF7A  }
0x26: {  	[smem:$0x3F9F] =	sst s1;
	(tag) =	ssettag s2;
	_ =	strace s9  }
0x27: {  	s1 =	sld [smem:$0x3FAF]  }
0x28: {  	s2 =	sld [smem:$0x3FB0]  }
0x29: {  	s4 =	sld [smem:$0x3FB2]  }
0x2a: {  	p0 =	seq.s32 s5, $0x0;
	s5 =	sld [smem:$0x3FB3]  }
0x2b: {  	s6 =	sld [smem:$0x3FB4]  }
0x2c: {  	s7 =	sld [smem:$0x3FB5]  }
0x2d: {  	s3 =	simm.s32 $0x108;
	s8 =	sld [smem:$0x3FB6]  }
0x2e: {  	s3 =	simm.s32 @!p0 $0x1082;
	s9 =	sld [smem:$0x3FB7]  }
0x2f: {  	lr =	sadd.s32 s0, s3;
	s0 =	sld [smem:$0x3FAE]  }
0x30: {  	s3 =	sld [smem:$0x3FB1]  }
0x31: {  	[smem:$0x3FBA] =	sst s10  }
0x32: {  	s10 =	sld [smem:$0x3FB8];
	_ =	sdelay $0x3  }
0x33: {  	p0 =	seq.s32 s10, $0x1;
	s10 =	sld [smem:$0x3FBA];
	_ =	sdelay $0x3  }
0x34: {  	[smem:$0x3FBA] =	sst s10  }
0x35: {  	s10 =	sld [smem:$0x3FB9];
	_ =	sdelay $0x3  }
0x36: {  	p1 =	seq.s32 s10, $0x1;
	s10 =	sld [smem:$0x3FBA];
	_ =	sdelay $0x3  }
0x37: {  	[smem:$0x3FBA] =	sst s10  }
0x38: {  	s10 =	sld [smem:$0x3FBB]  }
0x39: {  	_ = 	snop;
	(pc) =	sbr.ind lr, $3  }
0x3a: {  	_ = 	snop  }
0x3b: {  	_ = 	snop  }
0x3c: {  	p2 =	seq.s32 s10, $0x1;
	s10 =	sld [smem:$0x3FBA]  }
0x3d: {  	_ =	shalt  }
0x3e: {  	_ =	shalt  }
0x3f: {  	_ =	shalt  }
0x40: {  	_ =	shalt  }
0x41: {  	_ =	shalt  }
0x42: {  	_ =	shalt  }
0x43: {  	_ =	shalt  }
0x44: {  	_ =	shalt  }
0x45: {  	_ =	shalt  }
0x46: {  	_ =	shalt  }
0x47: {  	_ =	shalt  }
0x48: {  	_ =	shalt  }
0x49: {  	_ =	shalt  }
0x4a: {  	_ =	shalt  }
0x4b: {  	_ =	shalt  }
0x4c: {  	_ =	shalt  }
0x4d: {  	_ =	shalt  }
0x4e: {  	_ =	shalt  }
0x4f: {  	_ =	shalt  }
0x50: {  	_ =	shalt  }
0x51: {  	_ =	shalt  }
0x52: {  	_ =	shalt  }
0x53: {  	_ =	shalt  }
0x54: {  	_ =	shalt  }
0x55: {  	_ =	shalt  }
0x56: {  	_ =	shalt  }
0x57: {  	_ =	shalt  }
0x58: {  	_ =	shalt  }
0x59: {  	_ =	shalt  }
0x5a: {  	_ =	shalt  }
0x5b: {  	_ =	shalt  }
0x5c: {  	_ =	shalt  }
0x5d: {  	_ =	shalt  }
0x5e: {  	_ =	shalt  }
0x5f: {  	_ =	shalt  }
0x60: {  	_ =	shalt  }
0x61: {  	_ =	shalt  }
0x62: {  	_ =	shalt  }
0x63: {  	_ =	shalt  }
0x64: {  	_ =	shalt  }
0x65: {  	_ =	shalt  }
0x66: {  	_ =	shalt  }
0x67: {  	_ =	shalt  }
0x68: {  	_ =	shalt  }
0x69: {  	_ =	shalt  }
0x6a: {  	_ =	shalt  }
0x6b: {  	_ =	shalt  }
0x6c: {  	_ =	shalt  }
0x6d: {  	_ =	shalt  }
0x6e: {  	_ =	shalt  }
0x6f: {  	_ =	shalt  }
0x70: {  	_ =	shalt  }
0x71: {  	_ =	shalt  }
0x72: {  	_ =	shalt  }
0x73: {  	_ =	shalt  }
0x74: {  	_ =	shalt  }
0x75: {  	_ =	shalt  }
0x76: {  	_ =	shalt  }
0x77: {  	_ =	shalt  }
0x78: {  	_ =	shalt  }
0x79: {  	_ =	shalt  }
0x7a: {  	_ =	shalt  }
0x7b: {  	_ =	shalt  }
0x7c: {  	_ =	shalt  }
0x7d: {  	_ =	shalt  }
0x7e: {  	_ =	shalt  }
0x7f: {  	_ =	shalt  }
0x80: {  	_ =	shalt  }
0x81: {  	_ =	shalt  }
0x82: {  	_ =	shalt  }
0x83: {  	_ =	shalt  }
0x84: {  	_ =	shalt  }
0x85: {  	_ =	shalt  }
0x86: {  	_ =	shalt  }
0x87: {  	_ =	shalt  }
.Lfunc_end0:
.L_simem_size_0:
called_computation_lowered:
.L_overlay_start_0:
0x88: {  	s2 =	sld [smem:$0x3FD9]  }
0x89: {  	s3 =	sld [smem:$0x3FFE];
	_ =	sdelay $0x1  }
0x8a: {  	s1 =	srdreg.scid  }
0x8b: {  	s0 =	sand.u32 $0x1, s1  }
0x8c: {  	s18 =	sshll.u32 s0, $0xA;
	s2 =	sadd.s32 s3, s2  }
0x8d: {  	s2 =	sadd.s32 s2, s18  }
0x8e: {  	[smem:$0x3FC6] =	sst s2  }
0x8f: {  	_ = 	snop  }
0x90: {  	s2 =	sld [smem:$0x3FC9]  }
0x91: {  	s19 =	sld [smem:$0x3FC8]  }
0x92: {  	s4 =	sld [smem:$0x3FD0];
	(tm) =	ssettm $0x1  }
0x93: {  	s5 =	sld [smem:$0x3FFB];
	_ =	sdelay $0x3  }
0x94: {  	_ =	strace s5  }
0x95: {  	s5 =	sld [smem:$0x3FFC];
	_ =	sdelay $0x3  }
0x96: {  	_ =	strace s5  }
0x97: {  	s5 =	sld [smem:$0x3FFD];
	_ =	sdelay $0x3  }
0x98: {  	_ =	strace s5  }
0x99: {  	_ =	strace $0x8FFFFFFF  }
0x9a: {  	s20 =	sld [smem:$0x3FDB];
	_ =	sdelay $0x1  }
0x9b: {  	s6 =	simm.s32 $_scs_section_size  }
0x9c: {  	s7 =	simm.s32 $_size__tile_overlayer_lowered;
	s8 =	simm.s32 $_tile_overlayer_lowered  }
0x9d: {  	s23 =	simm.s32 $0x1BFF;
	s22 =	sshll.u32 s8, $0x1;
	s5 =	sadd.s32 s6, s20  }
0x9e: {  	s9 =	simm.s32 $0x0;
	s21 =	sshll.u32 s7, $0x1;
	s7 =	sadd.s32 s22, s5  }
0x9f: {  	[timem:s9], [sflag:s23] =	dma.local [hbm:s7], s21  }
0xa0: {  	_ =	swait.ge [sflag:s23], s21  }
0xa1: {  	s6 =	ssub.s32 $0x0, s21;
	[sflag:s23] =	ssyncset.done $0x0  }
0xa2: {  	[sflag:s23] =	ssyncadd.s32 s6;
	_ =	sdelay $0x1  }
0xa3: {  	s24 =	simm.s32 $0x1B8B  }
0xa4: {  	_ =	swait.ge [sflag:s24], $0x1  }
0xa5: {  	[sflag:s24] =	ssyncset.done $0x0  }
0xa6: {  	s25 =	simm.s32 $0x1B8E;
	[sflag:s24] =	ssyncadd.s32 $0xFFFFFFFF  }
0xa7: {  	s26 =	simm.s32 $execute0_lowered;
	[smem:$0x3FD2] =	sst s25  }
0xa8: {  	s6 =	sshll.u32 s26, $0x1;
	_ =	strace $0x80000046;
	[dreg:$0x1] =	wrdreg $0xFFFFFFFF  }
0xa9: {  	s28 =	simm.s32 $_size_execute0_lowered;
	s5 =	sadd.s32 s5, s6;
	[dreg:$0x0] =	wrdreg $0x0  }
0xaa: {  	s6 =	sshll.u32 s28, $0x1;
	[dreg:$0x2] =	wrdreg s5  }
0xab: {  	[dreg:$0x3] =	wrdreg s6  }
0xac: {  	[dreg:$0x4] =	wrdreg $0xC0  }
0xad: {  	_ =	task [dreg:s9], $0x5FFFF  }
0xae: {  	[dreg:$0x1] =	wrdreg $0xFFFFFFFF  }
0xaf: {  	[dreg:$0x0] =	wrdreg $0x60  }
0xb0: {  	[dreg:$0x2] =	wrdreg s2  }
0xb1: {  	[dreg:$0x3] =	wrdreg s19  }
0xb2: {  	[dreg:$0x4] =	wrdreg s4  }
0xb3: {  	[dreg:$0x5] =	wrdreg $0x9  }
0xb4: {  	_ =	task.clear_ibuf [dreg:s9], $0x6FFFF;
	_ =	strace $0x90000046  }
0xb5: {  	s29 =	simm.s32 $0x9;
	_ =	strace $0x80000048  }
0xb6: {  	_ =	swait.ge [sflag:s29], $0x1  }
0xb7: {  	[sflag:s29] =	ssyncadd.s32 $0xFFFFFFFF  }
0xb8: {  	_ =	strace $0x90000048  }
0xb9: {  	_ =	sfence  }
0xba: {  	s30 =	sld [smem:$0x0];
	_ =	sdelay $0x2  }
0xbb: {  	s31 =	sshll.u32 s1, $0xD;
	s1 =	sshrl.u32 s1, $0x2  }
0xbc: {  	s3 =	sand.u32 $0x4000, s31;
	s1 =	sadd.s32 s1, s30  }
0xbd: {  	s0 =	sor.u32 s3, s0;
	s1 =	sshll.u32 s1, $0x11  }
0xbe: {  	s0 =	sor.u32 s1, s0  }
0xbf: {  	s0 =	sadd.s32 $0x8F2B, s0  }
0xc0: {  	[sflag:s0] =	ssyncadd.remote.s32 $0x1  }
0xc1: {  	_ =	sfence.sel $0xFFFF  }
0xc2: {  	[dreg:$0x0] =	wrdreg $0xFFFFFFFF;
	(pc) =	sbr.abs _section_cstart, $3  }
0xc3: {  	[dreg:$0x1] =	wrdreg $0xFFFFFFFF  }
0xc4: {  	_ =	task.clear_ibuf [dreg:s9], $0x2FFFF;
	_ =	strace $0x9FFFFFFF  }
0xc5: {  	(tm) =	ssettm $0x7FFFFFFF  }
tec
execute0_lowered:
.L_overlay_start_1:
0x0: {  	(tag) =	ssettag $0x1  }
0x1: {  	s1 =	rddreg [dreg:$0x0]  }
0x2: {  	s2 =	rddreg [dreg:$0x1]  }
0x3: {  	s0 =	rddreg [dreg:$0x2];
	s3 =	srdreg.scid  }
0x4: {  	s4 =	simm.s32 $0x0;
	s5 =	stileid.u32;
	s15 =	simm.s32 $0x3  }
0x5: {  	s16 =	simm.s32 $0x1000;
	s17 =	simm.s32 $0x11080;
	s24 =	simm.s32 $0x14880  }
0x6: {  	s25 =	simm.s32 $0x15080;
	s28 =	simm.s32 $0x16080;
	s29 =	simm.s32 $0x16880  }
0x7: {  	s30 =	simm.s32 $0x17080;
	s31 =	simm.s32 $0x17880;
	s12 =	simm.s32 $0x1  }
0x8: {  	s13 =	simm.s32 $0x2;
	s14 =	simm.s32 $0x0;
	s3 =	sand.u32 $0x1, s3  }
0x9: {  	s5 =	sshll.u32 s5, $0x8;
	[smem:$0x7FF] =	sst s4;
	s9 =	sadd.s32 $0x180, s1  }
0xa: {  	s6 =	ssub.s32 $0x2, s3;
	s3 =	sshll.u32 s3, $0x7;
	_ =	strace $0x80000047  }
0xb: {  	s7 =	sshrl.u32 s6, $0x1;
	s5 =	sor.u32 s3, s5;
	s3 =	simm.s32 $0x18880  }
0xc: {  	s26 =	ssub.s32 s6, s7;
	s8 =	sshll.u32 s5, $0x5;
	s6 =	sadd.s32 $0x80, s1  }
0xd: {  	s7 =	sadd.s32 $0x100, s1;
	s8 =	sadd.s32 s0, s8;
	s11 =	smax.u32 s26, $0x1  }
0xe: {  	v0 =	vlaneseq.u32;
	vm0 =	vmmov $0xffff;
	s26 =	simm.s32 $0x15880;
	s0 =	simm.s32 $0x18080;
	s10 =	sadd.s32 $0x800, s8  }
.LBB2_1:
0xf: {  	[tilespmem:s4], [sflag:$0x3] =	stream.linear.gather [hbm4b:s1+s4], $0x400, $0x38;
	[tilespmem:$0x19080] =	vst v63  }
0x10: {  	s18 =	simm.s32 $0x400  }
0x11: {  	[tilespmem:s18], [sflag:$0x3] =	stream.linear.gather [hbm4b:s6+s4], $0x400, $0x38;
	[tilespmem:$0x19080] =	vst v63  }
0x12: {  	s20 =	simm.s32 $0x800  }
0x13: {  	[tilespmem:s20], [sflag:$0x3] =	stream.linear.gather [hbm4b:s7+s4], $0x400, $0x38;
	[tilespmem:$0x19080] =	vst v63  }
0x14: {  	s21 =	simm.s32 $0xC00  }
0x15: {  	[tilespmem:s21], [sflag:$0x3] =	stream.linear.gather [hbm4b:s9+s4], $0x400, $0x38;
	[tilespmem:$0x19080] =	vst v63  }
0x16: {  	_ =	swait.ge [sflag:s15], $0x400  }
0x17: {  	[sflag:s15] =	ssyncset.done $0x0  }
0x18: {  	[sflag:s15] =	ssyncadd.s32 $0xFFFFFC00  }
0x19: {  	v1 =	vld [tilespmem:$0x0];
	_ =	sdelay $0x4  }
0x1a: {  	(xrf1) =	vunique.msk.u32 $0xffff, v1;
	_ =	sdelay $0x4  }
0x1b: {  	v2 =	vld [tilespmem:$0x10];
	_ =	sdelay $0x2  }
0x1c: {  	s18 =	simm.s32 $0x30  }
0x1d: {  	v3 =	vld [tilespmem:s18+$0xFFFFFFF0]  }
0x1e: {  	(xrf1) =	vunique.msk.u32 $0xffff, v2;
	_ =	sdelay $0x3  }
0x1f: {  	_, v4, vm1 =	vpop (xrf1);
	(xrf1) =	vunique.msk.u32 $0xffff, v3;
	_ =	sdelay $0x4  }
0x20: {  	s19 =	simm.s32 $0x0  }
0x21: {  	v4 =	vor.u32 s19, v0  }
0x22: {  	[tilespmem:v1+s16+$0x0] =	vst.idx.msk vm1, v4  }
0x23: {  	v1 =	vld [tilespmem:s18+$0x0];
	_ =	sdelay $0x1  }
0x24: {  	_, v4, vm1 =	vpop (xrf1);
	_ =	sdelay $0x2  }
0x25: {  	(xrf1) =	vunique.msk.u32 $0xffff, v1  }
0x26: {  	s22 =	simm.s32 $0x10;
	s20 =	simm.s32 $0x4;
	_, v4, vm2 =	vpop (xrf1)  }
0x27: {  	s20 =	smin.u32 s20, $0x3F;
	v4 =	vor.u32 s22, v0  }
0x28: {  	s20 =	sshll.u32 s20, $0x4;
	[tilespmem:v2+s16+$0x0] =	vst.idx.msk vm1, v4  }
0x29: {  	v2 =	vld [tilespmem:s20+$0x0];
	_ =	sdelay $0x4  }
0x2a: {  	s21 =	simm.s32 $0x20;
	(xrf1) =	vunique.msk.u32 $0xffff, v2  }
0x2b: {  	s19 =	simm.s32 $0x0;
	v4 =	vor.u32 s21, v0  }
0x2c: {  	s22 =	smin.u32 s19, $0x3A  }
0x2d: {  	s23 =	sshll.u32 s22, $0x4;
	[tilespmem:v3+s16+$0x0] =	vst.idx.msk vm2, v4  }
0x2e: {  	v3 =	vld [tilespmem:s23+$0x50]  }
0x2f: {  	_, v4, vm1 =	vpop (xrf1);
	_ =	sdelay $0x3  }
0x30: {  	s20 =	simm.s32 $0x30;
	(xrf1) =	vunique.msk.u32 $0xffff, v3;
	v4 =	vor.u32 s18, v0  }
.LBB2_2:
0x31: {  	s18 =	sadd.s32 $0x40, s18  }
0x32: {  	[tilespmem:v1+s16+$0x0] =	vst.idx.msk vm1, v4;
	s20 =	sadd.s32 $0x40, s20;
	s21 =	smov.u32 s19;
	s19 =	sadd.s32 $0x4, s19  }
0x33: {  	s22 =	smin.u32 s19, $0x3A;
	p0 =	slt.u32 s19, $0x3C  }
0x34: {  	v4 =	vld [tilespmem:s20+$0xFFFFFFF0]  }
0x35: {  	_, v1, vm1 =	vpop (xrf1);
	_ =	sdelay $0x3  }
0x36: {  	s23 =	sadd.s32 $0xFFFFFFD0, s18;
	(xrf1) =	vunique.msk.u32 $0xffff, v4  }
0x37: {  	v1 =	vor.u32 s23, v0  }
0x38: {  	[tilespmem:v2+s16+$0x0] =	vst.idx.msk vm1, v1  }
0x39: {  	v1 =	vld [tilespmem:s20+$0x0];
	_ =	sdelay $0x1  }
0x3a: {  	_, v2, vm1 =	vpop (xrf1);
	_ =	sdelay $0x2  }
0x3b: {  	(xrf1) =	vunique.msk.u32 $0xffff, v1  }
0x3c: {  	s21 =	sadd.s32 $0x8, s21;
	s23 =	sadd.s32 $0xFFFFFFE0, s18  }
0x3d: {  	s21 =	smin.u32 s21, $0x3F;
	v2 =	vor.u32 s23, v0  }
0x3e: {  	s21 =	sshll.u32 s21, $0x4;
	[tilespmem:v3+s16+$0x0] =	vst.idx.msk vm1, v2  }
0x3f: {  	v2 =	vld [tilespmem:s21+$0x0];
	_ =	sdelay $0x1  }
0x40: {  	_, v3, vm1 =	vpop (xrf1);
	_ =	sdelay $0x2  }
0x41: {  	(xrf1) =	vunique.msk.u32 $0xffff, v2  }
0x42: {  	s21 =	sadd.s32 $0xFFFFFFF0, s18  }
0x43: {  	v3 =	vor.u32 s21, v0  }
0x44: {  	s21 =	sshll.u32 s22, $0x4;
	[tilespmem:v4+s16+$0x0] =	vst.idx.msk vm1, v3  }
0x45: {  	v3 =	vld [tilespmem:s21+$0x50]  }
0x46: {  	_, v4, vm1 =	vpop (xrf1)  }
.Ltmp0:
0x47: {  	(pc) =	sbr.rel @p0 .LBB2_2-.Ltmp0, $3  }
0x48: {  	_ =	sdelay $0x1  }
0x49: {  	(xrf1) =	vunique.msk.u32 $0xffff, v3  }
0x4a: {  	v4 =	vor.u32 s18, v0  }
0x4b: {  	_ =	sdelay $0xa  }
0x4c: {  	_, v2, vm2 =	vpop (xrf1)  }
0x4d: {  	[tilespmem:v1+s16+$0x0] =	vst.idx.msk vm1, v4;
	_, v1, vm1 =	vpop (xrf1)  }
0x4e: {  	_ =	swait.ge [sflag:s15], $0x400  }
0x4f: {  	[sflag:s15] =	ssyncset.done $0x0  }
0x50: {  	[sflag:s15] =	ssyncadd.s32 $0xFFFFFC00  }
0x51: {  	v1 =	vld [tilespmem:$0x400];
	_ =	sdelay $0x4  }
0x52: {  	(xrf1) =	vunique.msk.u32 $0xffff, v1;
	_ =	sdelay $0x4  }
0x53: {  	v2 =	vld [tilespmem:$0x410];
	_ =	sdelay $0x2  }
0x54: {  	s18 =	simm.s32 $0x430  }
0x55: {  	v3 =	vld [tilespmem:s18+$0xFFFFFFF0]  }
0x56: {  	(xrf1) =	vunique.msk.u32 $0xffff, v2;
	_ =	sdelay $0x3  }
0x57: {  	_, v4, vm1 =	vpop (xrf1);
	(xrf1) =	vunique.msk.u32 $0xffff, v3;
	_ =	sdelay $0x4  }
0x58: {  	s19 =	simm.s32 $0x400  }
0x59: {  	v4 =	vor.u32 s19, v0  }
0x5a: {  	[tilespmem:v1+s16+$0x0] =	vst.idx.msk vm1, v4  }
0x5b: {  	v1 =	vld [tilespmem:s18+$0x0];
	_ =	sdelay $0x1  }
0x5c: {  	_, v4, vm1 =	vpop (xrf1);
	_ =	sdelay $0x2  }
0x5d: {  	(xrf1) =	vunique.msk.u32 $0xffff, v1  }
0x5e: {  	s22 =	simm.s32 $0x410;
	s20 =	simm.s32 $0x44;
	_, v4, vm2 =	vpop (xrf1)  }
0x5f: {  	s20 =	smin.u32 s20, $0x7F;
	v4 =	vor.u32 s22, v0  }
0x60: {  	s20 =	sshll.u32 s20, $0x4;
	[tilespmem:v2+s16+$0x0] =	vst.idx.msk vm1, v4  }
0x61: {  	v2 =	vld [tilespmem:s20+$0x0];
	_ =	sdelay $0x4  }
0x62: {  	s21 =	simm.s32 $0x420;
	(xrf1) =	vunique.msk.u32 $0xffff, v2  }
0x63: {  	s19 =	simm.s32 $0x40;
	v4 =	vor.u32 s21, v0  }
0x64: {  	s22 =	smin.u32 s19, $0x7A  }
0x65: {  	s23 =	sshll.u32 s22, $0x4;
	[tilespmem:v3+s16+$0x0] =	vst.idx.msk vm2, v4  }
0x66: {  	v3 =	vld [tilespmem:s23+$0x50]  }
0x67: {  	_, v4, vm1 =	vpop (xrf1);
	_ =	sdelay $0x3  }
0x68: {  	s20 =	simm.s32 $0x430;
	(xrf1) =	vunique.msk.u32 $0xffff, v3;
	v4 =	vor.u32 s18, v0  }
.LBB2_4:
0x69: {  	s18 =	sadd.s32 $0x40, s18  }
0x6a: {  	[tilespmem:v1+s16+$0x0] =	vst.idx.msk vm1, v4;
	s20 =	sadd.s32 $0x40, s20;
	s21 =	smov.u32 s19;
	s19 =	sadd.s32 $0x4, s19  }
0x6b: {  	s22 =	smin.u32 s19, $0x7A;
	p0 =	slt.u32 s19, $0x7C  }
0x6c: {  	v4 =	vld [tilespmem:s20+$0xFFFFFFF0]  }
0x6d: {  	_, v1, vm1 =	vpop (xrf1);
	_ =	sdelay $0x3  }
0x6e: {  	s23 =	sadd.s32 $0xFFFFFFD0, s18;
	(xrf1) =	vunique.msk.u32 $0xffff, v4  }
0x6f: {  	v1 =	vor.u32 s23, v0  }
0x70: {  	[tilespmem:v2+s16+$0x0] =	vst.idx.msk vm1, v1  }
0x71: {  	v1 =	vld [tilespmem:s20+$0x0];
	_ =	sdelay $0x1  }
0x72: {  	_, v2, vm1 =	vpop (xrf1);
	_ =	sdelay $0x2  }
0x73: {  	(xrf1) =	vunique.msk.u32 $0xffff, v1  }
0x74: {  	s21 =	sadd.s32 $0x8, s21;
	s23 =	sadd.s32 $0xFFFFFFE0, s18  }
0x75: {  	s21 =	smin.u32 s21, $0x7F;
	v2 =	vor.u32 s23, v0  }
0x76: {  	s21 =	sshll.u32 s21, $0x4;
	[tilespmem:v3+s16+$0x0] =	vst.idx.msk vm1, v2  }
0x77: {  	v2 =	vld [tilespmem:s21+$0x0];
	_ =	sdelay $0x1  }
0x78: {  	_, v3, vm1 =	vpop (xrf1);
	_ =	sdelay $0x2  }
0x79: {  	(xrf1) =	vunique.msk.u32 $0xffff, v2  }
0x7a: {  	s21 =	sadd.s32 $0xFFFFFFF0, s18  }
0x7b: {  	v3 =	vor.u32 s21, v0  }
0x7c: {  	s21 =	sshll.u32 s22, $0x4;
	[tilespmem:v4+s16+$0x0] =	vst.idx.msk vm1, v3  }
0x7d: {  	v3 =	vld [tilespmem:s21+$0x50]  }
0x7e: {  	_, v4, vm1 =	vpop (xrf1)  }
.Ltmp1:
0x7f: {  	(pc) =	sbr.rel @p0 .LBB2_4-.Ltmp1, $3  }
0x80: {  	_ =	sdelay $0x1  }
0x81: {  	(xrf1) =	vunique.msk.u32 $0xffff, v3  }
0x82: {  	v4 =	vor.u32 s18, v0  }
0x83: {  	_ =	sdelay $0xa  }
0x84: {  	_, v2, vm2 =	vpop (xrf1)  }
0x85: {  	[tilespmem:v1+s16+$0x0] =	vst.idx.msk vm1, v4;
	_, v1, vm1 =	vpop (xrf1)  }
0x86: {  	_ =	swait.ge [sflag:s15], $0x400  }
0x87: {  	[sflag:s15] =	ssyncset.done $0x0  }
0x88: {  	[sflag:s15] =	ssyncadd.s32 $0xFFFFFC00  }
0x89: {  	v1 =	vld [tilespmem:$0x800];
	_ =	sdelay $0x4  }
0x8a: {  	(xrf1) =	vunique.msk.u32 $0xffff, v1;
	_ =	sdelay $0x4  }
0x8b: {  	v2 =	vld [tilespmem:$0x810];
	_ =	sdelay $0x2  }
0x8c: {  	s18 =	simm.s32 $0x830  }
0x8d: {  	v3 =	vld [tilespmem:s18+$0xFFFFFFF0]  }
0x8e: {  	(xrf1) =	vunique.msk.u32 $0xffff, v2;
	_ =	sdelay $0x3  }
0x8f: {  	_, v4, vm1 =	vpop (xrf1);
	(xrf1) =	vunique.msk.u32 $0xffff, v3;
	_ =	sdelay $0x4  }
0x90: {  	s19 =	simm.s32 $0x800  }
0x91: {  	v4 =	vor.u32 s19, v0  }
0x92: {  	[tilespmem:v1+s16+$0x0] =	vst.idx.msk vm1, v4  }
0x93: {  	v1 =	vld [tilespmem:s18+$0x0];
	_ =	sdelay $0x1  }
0x94: {  	_, v4, vm1 =	vpop (xrf1);
	_ =	sdelay $0x2  }
0x95: {  	(xrf1) =	vunique.msk.u32 $0xffff, v1  }
0x96: {  	s22 =	simm.s32 $0x810;
	s20 =	simm.s32 $0x84;
	_, v4, vm2 =	vpop (xrf1)  }
0x97: {  	s20 =	smin.u32 s20, $0xBF;
	v4 =	vor.u32 s22, v0  }
0x98: {  	s20 =	sshll.u32 s20, $0x4;
	[tilespmem:v2+s16+$0x0] =	vst.idx.msk vm1, v4  }
0x99: {  	v2 =	vld [tilespmem:s20+$0x0];
	_ =	sdelay $0x4  }
0x9a: {  	s21 =	simm.s32 $0x820;
	(xrf1) =	vunique.msk.u32 $0xffff, v2  }
0x9b: {  	s19 =	simm.s32 $0x80;
	v4 =	vor.u32 s21, v0  }
0x9c: {  	s22 =	smin.u32 s19, $0xBA  }
0x9d: {  	s23 =	sshll.u32 s22, $0x4;
	[tilespmem:v3+s16+$0x0] =	vst.idx.msk vm2, v4  }
0x9e: {  	v3 =	vld [tilespmem:s23+$0x50]  }
0x9f: {  	_, v4, vm1 =	vpop (xrf1);
	_ =	sdelay $0x3  }
0xa0: {  	s20 =	simm.s32 $0x830;
	(xrf1) =	vunique.msk.u32 $0xffff, v3;
	v4 =	vor.u32 s18, v0  }
.LBB2_6:
0xa1: {  	s18 =	sadd.s32 $0x40, s18  }
0xa2: {  	[tilespmem:v1+s16+$0x0] =	vst.idx.msk vm1, v4;
	s20 =	sadd.s32 $0x40, s20;
	s21 =	smov.u32 s19;
	s19 =	sadd.s32 $0x4, s19  }
0xa3: {  	s22 =	smin.u32 s19, $0xBA;
	p0 =	slt.u32 s19, $0xBC  }
0xa4: {  	v4 =	vld [tilespmem:s20+$0xFFFFFFF0]  }
0xa5: {  	_, v1, vm1 =	vpop (xrf1);
	_ =	sdelay $0x3  }
0xa6: {  	s23 =	sadd.s32 $0xFFFFFFD0, s18;
	(xrf1) =	vunique.msk.u32 $0xffff, v4  }
0xa7: {  	v1 =	vor.u32 s23, v0  }
0xa8: {  	[tilespmem:v2+s16+$0x0] =	vst.idx.msk vm1, v1  }
0xa9: {  	v1 =	vld [tilespmem:s20+$0x0];
	_ =	sdelay $0x1  }
0xaa: {  	_, v2, vm1 =	vpop (xrf1);
	_ =	sdelay $0x2  }
0xab: {  	(xrf1) =	vunique.msk.u32 $0xffff, v1  }
0xac: {  	s21 =	sadd.s32 $0x8, s21;
	s23 =	sadd.s32 $0xFFFFFFE0, s18  }
0xad: {  	s21 =	smin.u32 s21, $0xBF;
	v2 =	vor.u32 s23, v0  }
0xae: {  	s21 =	sshll.u32 s21, $0x4;
	[tilespmem:v3+s16+$0x0] =	vst.idx.msk vm1, v2  }
0xaf: {  	v2 =	vld [tilespmem:s21+$0x0];
	_ =	sdelay $0x1  }
0xb0: {  	_, v3, vm1 =	vpop (xrf1);
	_ =	sdelay $0x2  }
0xb1: {  	(xrf1) =	vunique.msk.u32 $0xffff, v2  }
0xb2: {  	s21 =	sadd.s32 $0xFFFFFFF0, s18  }
0xb3: {  	v3 =	vor.u32 s21, v0  }
0xb4: {  	s21 =	sshll.u32 s22, $0x4;
	[tilespmem:v4+s16+$0x0] =	vst.idx.msk vm1, v3  }
0xb5: {  	v3 =	vld [tilespmem:s21+$0x50]  }
0xb6: {  	_, v4, vm1 =	vpop (xrf1)  }
.Ltmp2:
0xb7: {  	(pc) =	sbr.rel @p0 .LBB2_6-.Ltmp2, $3  }
0xb8: {  	_ =	sdelay $0x1  }
0xb9: {  	(xrf1) =	vunique.msk.u32 $0xffff, v3  }
0xba: {  	v4 =	vor.u32 s18, v0  }
0xbb: {  	_ =	sdelay $0xa  }
0xbc: {  	_, v2, vm2 =	vpop (xrf1)  }
0xbd: {  	[tilespmem:v1+s16+$0x0] =	vst.idx.msk vm1, v4;
	_, v1, vm1 =	vpop (xrf1)  }
0xbe: {  	_ =	swait.ge [sflag:s15], $0x400  }
0xbf: {  	[sflag:s15] =	ssyncset.done $0x0  }
0xc0: {  	[sflag:s15] =	ssyncadd.s32 $0xFFFFFC00  }
0xc1: {  	v1 =	vld [tilespmem:$0xC00];
	_ =	sdelay $0x4  }
0xc2: {  	(xrf1) =	vunique.msk.u32 $0xffff, v1;
	_ =	sdelay $0x4  }
0xc3: {  	v2 =	vld [tilespmem:$0xC10];
	_ =	sdelay $0x2  }
0xc4: {  	s18 =	simm.s32 $0xC30  }
0xc5: {  	v3 =	vld [tilespmem:s18+$0xFFFFFFF0]  }
0xc6: {  	(xrf1) =	vunique.msk.u32 $0xffff, v2;
	_ =	sdelay $0x3  }
0xc7: {  	_, v4, vm1 =	vpop (xrf1);
	(xrf1) =	vunique.msk.u32 $0xffff, v3;
	_ =	sdelay $0x4  }
0xc8: {  	s19 =	simm.s32 $0xC00  }
0xc9: {  	v4 =	vor.u32 s19, v0  }
0xca: {  	[tilespmem:v1+s16+$0x0] =	vst.idx.msk vm1, v4  }
0xcb: {  	v1 =	vld [tilespmem:s18+$0x0];
	_ =	sdelay $0x1  }
0xcc: {  	_, v4, vm1 =	vpop (xrf1);
	_ =	sdelay $0x2  }
0xcd: {  	(xrf1) =	vunique.msk.u32 $0xffff, v1  }
0xce: {  	s22 =	simm.s32 $0xC10;
	s20 =	simm.s32 $0xC4;
	_, v4, vm2 =	vpop (xrf1)  }
0xcf: {  	s20 =	smin.u32 s20, $0xFF;
	v4 =	vor.u32 s22, v0  }
0xd0: {  	s20 =	sshll.u32 s20, $0x4;
	[tilespmem:v2+s16+$0x0] =	vst.idx.msk vm1, v4  }
0xd1: {  	v2 =	vld [tilespmem:s20+$0x0];
	_ =	sdelay $0x4  }
0xd2: {  	s21 =	simm.s32 $0xC20;
	(xrf1) =	vunique.msk.u32 $0xffff, v2  }
0xd3: {  	s19 =	simm.s32 $0xC0;
	v4 =	vor.u32 s21, v0  }
0xd4: {  	s22 =	smin.u32 s19, $0xFA  }
0xd5: {  	s23 =	sshll.u32 s22, $0x4;
	[tilespmem:v3+s16+$0x0] =	vst.idx.msk vm2, v4  }
0xd6: {  	v3 =	vld [tilespmem:s23+$0x50]  }
0xd7: {  	_, v4, vm1 =	vpop (xrf1);
	_ =	sdelay $0x3  }
0xd8: {  	s20 =	simm.s32 $0xC30;
	(xrf1) =	vunique.msk.u32 $0xffff, v3;
	v4 =	vor.u32 s18, v0  }
.LBB2_8:
0xd9: {  	s18 =	sadd.s32 $0x40, s18  }
0xda: {  	[tilespmem:v1+s16+$0x0] =	vst.idx.msk vm1, v4;
	s20 =	sadd.s32 $0x40, s20;
	s21 =	smov.u32 s19;
	s19 =	sadd.s32 $0x4, s19  }
0xdb: {  	s22 =	smin.u32 s19, $0xFA;
	p0 =	slt.u32 s19, $0xFC  }
0xdc: {  	v4 =	vld [tilespmem:s20+$0xFFFFFFF0]  }
0xdd: {  	_, v1, vm1 =	vpop (xrf1);
	_ =	sdelay $0x3  }
0xde: {  	s23 =	sadd.s32 $0xFFFFFFD0, s18;
	(xrf1) =	vunique.msk.u32 $0xffff, v4  }
0xdf: {  	v1 =	vor.u32 s23, v0  }
0xe0: {  	[tilespmem:v2+s16+$0x0] =	vst.idx.msk vm1, v1  }
0xe1: {  	v1 =	vld [tilespmem:s20+$0x0];
	_ =	sdelay $0x1  }
0xe2: {  	_, v2, vm1 =	vpop (xrf1);
	_ =	sdelay $0x2  }
0xe3: {  	(xrf1) =	vunique.msk.u32 $0xffff, v1  }
0xe4: {  	s21 =	sadd.s32 $0x8, s21;
	s23 =	sadd.s32 $0xFFFFFFE0, s18  }
0xe5: {  	s21 =	smin.u32 s21, $0xFF;
	v2 =	vor.u32 s23, v0  }
0xe6: {  	s21 =	sshll.u32 s21, $0x4;
	[tilespmem:v3+s16+$0x0] =	vst.idx.msk vm1, v2  }
0xe7: {  	v2 =	vld [tilespmem:s21+$0x0];
	_ =	sdelay $0x1  }
0xe8: {  	_, v3, vm1 =	vpop (xrf1);
	_ =	sdelay $0x2  }
0xe9: {  	(xrf1) =	vunique.msk.u32 $0xffff, v2  }
0xea: {  	s21 =	sadd.s32 $0xFFFFFFF0, s18  }
0xeb: {  	v3 =	vor.u32 s21, v0  }
0xec: {  	s21 =	sshll.u32 s22, $0x4;
	[tilespmem:v4+s16+$0x0] =	vst.idx.msk vm1, v3  }
0xed: {  	v3 =	vld [tilespmem:s21+$0x50]  }
0xee: {  	_, v4, vm1 =	vpop (xrf1)  }
.Ltmp3:
0xef: {  	(pc) =	sbr.rel @p0 .LBB2_8-.Ltmp3, $3  }
0xf0: {  	_ =	sdelay $0x1  }
0xf1: {  	(xrf1) =	vunique.msk.u32 $0xffff, v3  }
0xf2: {  	v4 =	vor.u32 s18, v0  }
0xf3: {  	_ =	sdelay $0x4  }
0xf4: {  	[tilespmem:v1+s16+$0x0] =	vst.idx.msk vm1, v4  }
0xf5: {  	v1 =	vld [tilespmem:s5+$0x0];
	_ =	sdelay $0x7  }
0xf6: {  	v1 =	vld.idx.msk [tilespmem:v1+s16+$0x0], $0xffff;
	_ =	sdelay $0x4  }
0xf7: {  	[tilespmem:$0x11000] =	vst v1  }
0xf8: {  	v2 =	vld [tilespmem:s5+$0x10];
	_ =	sdelay $0x7  }
0xf9: {  	v2 =	vld.idx.msk [tilespmem:v2+s16+$0x0], $0xffff;
	_ =	sdelay $0x4  }
0xfa: {  	[tilespmem:$0x11010] =	vst v2  }
0xfb: {  	v2 =	vld [tilespmem:s5+$0x20];
	_ =	sdelay $0x7  }
0xfc: {  	v2 =	vld.idx.msk [tilespmem:v2+s16+$0x0], $0xffff;
	_ =	sdelay $0x4  }
0xfd: {  	[tilespmem:$0x11020] =	vst v2  }
0xfe: {  	v2 =	vld [tilespmem:s5+$0x30];
	_ =	sdelay $0x7  }
0xff: {  	v2 =	vld.idx.msk [tilespmem:v2+s16+$0x0], $0xffff;
	_ =	sdelay $0x4  }
0x100: {  	[tilespmem:$0x11030] =	vst v2  }
0x101: {  	v2 =	vld [tilespmem:s5+$0x40];
	_ =	sdelay $0x7  }
0x102: {  	v2 =	vld.idx.msk [tilespmem:v2+s16+$0x0], $0xffff;
	_ =	sdelay $0x4  }
0x103: {  	[tilespmem:$0x11040] =	vst v2  }
0x104: {  	v2 =	vld [tilespmem:s5+$0x50];
	_ =	sdelay $0x7  }
0x105: {  	v2 =	vld.idx.msk [tilespmem:v2+s16+$0x0], $0xffff;
	_ =	sdelay $0x4  }
0x106: {  	[tilespmem:$0x11050] =	vst v2  }
0x107: {  	v2 =	vld [tilespmem:s5+$0x60];
	_ =	sdelay $0x7  }
0x108: {  	v2 =	vld.idx.msk [tilespmem:v2+s16+$0x0], $0xffff;
	_ =	sdelay $0x4  }
0x109: {  	[tilespmem:$0x11060] =	vst v2  }
0x10a: {  	v2 =	vld [tilespmem:s5+$0x70];
	_ =	sdelay $0x3  }
0x10b: {  	v3 =	vshll.u32 v1, $0x1  }
0x10c: {  	v1 =	vand.u32 $0x7, v1;
	v3 =	vand.u32 $0xFFFFFFF0, v3  }
0x10d: {  	v63 =	vshrl.u32 v0, $0x3;
	v1 =	vor.u32 v1, v3;
	v3 =	vand.u32 $0x7, v0  }
0x10e: {  	v4 =	vmul.u32 $0x8, v63;
	v5 =	vperm.xlane v1, v3  }
0x10f: {  	v6 =	vor.u32 $0x8, v0;
	v2 =	vld.idx.msk [tilespmem:v2+s16+$0x0], $0xffff  }
0x110: {  	v1 =	vperm.xlane v1, v6;
	v5 =	vadd.s32 v4, v5;
	_ =	sdelay $0x1  }
0x111: {  	v1 =	vadd.s32 v4, v1;
	_ =	sdelay $0x1  }
0x112: {  	[tilespmem:$0x11070] =	vst v2  }
0x113: {  	[tilespmem:s17], [sflag:$0x1] =	stream.indirect_vreg.gather [hbm4b:s2+s4], $0x80, v5, vm0, $0xb8;
	[tilespmem:$0x19080] =	vst v63  }
0x114: {  	s18 =	simm.s32 $0x11880  }
0x115: {  	[tilespmem:s18], [sflag:$0x1] =	stream.indirect_vreg.gather [hbm4b:s2+s4], $0x80, v1, vm0, $0xb8;
	[tilespmem:$0x19080] =	vst v63  }
0x116: {  	v1 =	vld [tilespmem:$0x11010];
	_ =	sdelay $0x4  }
0x117: {  	v2 =	vshll.u32 v1, $0x1  }
0x118: {  	v1 =	vand.u32 $0x7, v1;
	v2 =	vand.u32 $0xFFFFFFF0, v2  }
0x119: {  	v1 =	vor.u32 v1, v2  }
0x11a: {  	v2 =	vperm.xlane v1, v3;
	_ =	sdelay $0x1  }
0x11b: {  	v1 =	vperm.xlane v1, v6;
	v2 =	vadd.s32 v4, v2;
	_ =	sdelay $0x1  }
0x11c: {  	v1 =	vadd.s32 v4, v1;
	_ =	sdelay $0x1  }
0x11d: {  	s19 =	simm.s32 $0x12080  }
0x11e: {  	[tilespmem:s19], [sflag:$0x1] =	stream.indirect_vreg.gather [hbm4b:s2+s4], $0x80, v2, vm0, $0xb8;
	[tilespmem:$0x19080] =	vst v63  }
0x11f: {  	s20 =	simm.s32 $0x12880  }
0x120: {  	[tilespmem:s20], [sflag:$0x1] =	stream.indirect_vreg.gather [hbm4b:s2+s4], $0x80, v1, vm0, $0xb8;
	[tilespmem:$0x19080] =	vst v63  }
0x121: {  	v1 =	vld [tilespmem:$0x11020];
	_ =	sdelay $0x4  }
0x122: {  	v2 =	vshll.u32 v1, $0x1  }
0x123: {  	v1 =	vand.u32 $0x7, v1;
	v2 =	vand.u32 $0xFFFFFFF0, v2  }
0x124: {  	v1 =	vor.u32 v1, v2  }
0x125: {  	v2 =	vperm.xlane v1, v3;
	_ =	sdelay $0x1  }
0x126: {  	v1 =	vperm.xlane v1, v6;
	v2 =	vadd.s32 v4, v2;
	_ =	sdelay $0x1  }
0x127: {  	v1 =	vadd.s32 v4, v1;
	_ =	sdelay $0x1  }
0x128: {  	s21 =	simm.s32 $0x13080  }
0x129: {  	[tilespmem:s21], [sflag:$0x1] =	stream.indirect_vreg.gather [hbm4b:s2+s4], $0x80, v2, vm0, $0xb8;
	[tilespmem:$0x19080] =	vst v63  }
0x12a: {  	s22 =	simm.s32 $0x13880  }
0x12b: {  	[tilespmem:s22], [sflag:$0x1] =	stream.indirect_vreg.gather [hbm4b:s2+s4], $0x80, v1, vm0, $0xb8;
	[tilespmem:$0x19080] =	vst v63  }
0x12c: {  	v1 =	vld [tilespmem:$0x11030];
	_ =	sdelay $0x4  }
0x12d: {  	v2 =	vshll.u32 v1, $0x1  }
0x12e: {  	v1 =	vand.u32 $0x7, v1;
	v2 =	vand.u32 $0xFFFFFFF0, v2  }
0x12f: {  	v1 =	vor.u32 v1, v2  }
0x130: {  	v2 =	vperm.xlane v1, v3;
	_ =	sdelay $0x1  }
0x131: {  	v1 =	vperm.xlane v1, v6;
	v2 =	vadd.s32 v4, v2;
	_ =	sdelay $0x1  }
0x132: {  	v1 =	vadd.s32 v4, v1;
	_ =	sdelay $0x1  }
0x133: {  	s23 =	simm.s32 $0x14080  }
0x134: {  	[tilespmem:s23], [sflag:$0x1] =	stream.indirect_vreg.gather [hbm4b:s2+s4], $0x80, v2, vm0, $0xb8;
	[tilespmem:$0x19080] =	vst v63  }
0x135: {  	_ = 	snop  }
0x136: {  	[tilespmem:s24], [sflag:$0x1] =	stream.indirect_vreg.gather [hbm4b:s2+s4], $0x80, v1, vm0, $0xb8;
	[tilespmem:$0x19080] =	vst v63  }
0x137: {  	v1 =	vld [tilespmem:$0x11040];
	_ =	sdelay $0x4  }
0x138: {  	v2 =	vshll.u32 v1, $0x1  }
0x139: {  	v1 =	vand.u32 $0x7, v1;
	v2 =	vand.u32 $0xFFFFFFF0, v2  }
0x13a: {  	v1 =	vor.u32 v1, v2  }
0x13b: {  	v2 =	vperm.xlane v1, v3;
	_ =	sdelay $0x1  }
0x13c: {  	v1 =	vperm.xlane v1, v6;
	v2 =	vadd.s32 v4, v2;
	_ =	sdelay $0x1  }
0x13d: {  	v1 =	vadd.s32 v4, v1;
	_ =	sdelay $0x2  }
0x13e: {  	[tilespmem:s25], [sflag:$0x1] =	stream.indirect_vreg.gather [hbm4b:s2+s4], $0x80, v2, vm0, $0xb8;
	[tilespmem:$0x19080] =	vst v63  }
0x13f: {  	_ = 	snop  }
0x140: {  	[tilespmem:s26], [sflag:$0x1] =	stream.indirect_vreg.gather [hbm4b:s2+s4], $0x80, v1, vm0, $0xb8;
	[tilespmem:$0x19080] =	vst v63  }
0x141: {  	v1 =	vld [tilespmem:$0x11050];
	_ =	sdelay $0x4  }
0x142: {  	v2 =	vshll.u32 v1, $0x1  }
0x143: {  	v1 =	vand.u32 $0x7, v1;
	v2 =	vand.u32 $0xFFFFFFF0, v2  }
0x144: {  	v1 =	vor.u32 v1, v2  }
0x145: {  	v2 =	vperm.xlane v1, v3;
	_ =	sdelay $0x1  }
0x146: {  	v1 =	vperm.xlane v1, v6;
	v2 =	vadd.s32 v4, v2;
	_ =	sdelay $0x1  }
0x147: {  	v1 =	vadd.s32 v4, v1;
	_ =	sdelay $0x2  }
0x148: {  	[tilespmem:s28], [sflag:$0x1] =	stream.indirect_vreg.gather [hbm4b:s2+s4], $0x80, v2, vm0, $0xb8;
	[tilespmem:$0x19080] =	vst v63  }
0x149: {  	_ = 	snop  }
0x14a: {  	[tilespmem:s29], [sflag:$0x1] =	stream.indirect_vreg.gather [hbm4b:s2+s4], $0x80, v1, vm0, $0xb8;
	[tilespmem:$0x19080] =	vst v63  }
0x14b: {  	v1 =	vld [tilespmem:$0x11060];
	_ =	sdelay $0x4  }
0x14c: {  	v2 =	vshll.u32 v1, $0x1  }
0x14d: {  	v1 =	vand.u32 $0x7, v1;
	v2 =	vand.u32 $0xFFFFFFF0, v2  }
0x14e: {  	v1 =	vor.u32 v1, v2  }
0x14f: {  	v2 =	vperm.xlane v1, v3;
	_ =	sdelay $0x1  }
0x150: {  	v1 =	vperm.xlane v1, v6;
	v2 =	vadd.s32 v4, v2;
	_ =	sdelay $0x1  }
0x151: {  	v1 =	vadd.s32 v4, v1;
	_ =	sdelay $0x2  }
0x152: {  	[tilespmem:s30], [sflag:$0x1] =	stream.indirect_vreg.gather [hbm4b:s2+s4], $0x80, v2, vm0, $0xb8;
	[tilespmem:$0x19080] =	vst v63  }
0x153: {  	_ = 	snop  }
0x154: {  	[tilespmem:s31], [sflag:$0x1] =	stream.indirect_vreg.gather [hbm4b:s2+s4], $0x80, v1, vm0, $0xb8;
	[tilespmem:$0x19080] =	vst v63  }
0x155: {  	v1 =	vld [tilespmem:$0x11070];
	_ =	sdelay $0x4  }
0x156: {  	v2 =	vshll.u32 v1, $0x1  }
0x157: {  	v1 =	vand.u32 $0x7, v1;
	v2 =	vand.u32 $0xFFFFFFF0, v2  }
0x158: {  	v1 =	vor.u32 v1, v2  }
0x159: {  	v2 =	vperm.xlane v1, v3;
	_ =	sdelay $0x1  }
0x15a: {  	v1 =	vperm.xlane v1, v6;
	v2 =	vadd.s32 v4, v2;
	_ =	sdelay $0x1  }
0x15b: {  	v1 =	vadd.s32 v4, v1;
	_ =	sdelay $0x2  }
0x15c: {  	[tilespmem:s0], [sflag:$0x1] =	stream.indirect_vreg.gather [hbm4b:s2+s4], $0x80, v2, vm0, $0xb8;
	[tilespmem:$0x19080] =	vst v63  }
0x15d: {  	_, v2, vm1 =	vpop (xrf1)  }
0x15e: {  	_, v2, vm1 =	vpop (xrf1);
	[tilespmem:s3], [sflag:$0x1] =	stream.indirect_vreg.gather [hbm4b:s2+s4], $0x80, v1, vm0, $0xb8;
	[tilespmem:$0x19080] =	vst v63  }
0x15f: {  	_ =	swait.ge [sflag:s12], $0x4000  }
0x160: {  	[sflag:s12] =	ssyncset.done $0x0  }
0x161: {  	[sflag:s12] =	ssyncadd.s32 $0xFFFFC000  }
0x162: {  	[hbm4b:s8+s4] =	stream.linear.scatter [tilespmem:s17], [sflag:$0x2], $0x4000, $0x38;
	[tilespmem:$0x19080] =	vst v63  }
0x163: {  	_ =	swait.ge [sflag:s12], $0x4000  }
0x164: {  	[sflag:s12] =	ssyncset.done $0x0  }
0x165: {  	s14 =	sadd.s32 $0x1, s14;
	[sflag:s12] =	ssyncadd.s32 $0xFFFFC000  }
0x166: {  	[hbm4b:s10+s4] =	stream.linear.scatter [tilespmem:s25], [sflag:$0x2], $0x4000, $0x38;
	[tilespmem:$0x19080] =	vst v63  }
0x167: {  	p0 =	sne.s32 s14, s11;
	_ =	swait.ge [sflag:s13], $0x4000  }
.Ltmp4:
0x168: {  	[sflag:s13] =	ssyncset.done $0x0;
	(pc) =	sbr.rel @p0 .LBB2_1-.Ltmp4, $4  }
0x169: {  	[sflag:s13] =	ssyncadd.s32 $0xFFFFC000  }
0x16a: {  	_ =	swait.ge [sflag:s13], $0x4000  }
0x16b: {  	[sflag:s13] =	ssyncset.done $0x0  }
0x16c: {  	[sflag:s13] =	ssyncadd.s32 $0xFFFFC000  }
0x16d: {  	_ =	sfence.sel $0x180000  }
0x16e: {  	[bflag:$0x0] =	sbarrier.arrive $0xFFFF  }
0x16f: {  	_ =	strace $0x90000047  }
0x170: {  	s0 =	stileid.u32;
	[bflag:$0x2] =	sbarrier.arrive $0xFFFF  }
0x171: {  	p0 =	sne.s32 s0, $0x0;
	s0 =	rddreg [dreg:$0x3]  }
0x172: {  	s0 =	sadd.s32 @!p0 $0x100000, s0  }
0x173: {  	[sflag:s0] =	ssyncadd.tile.s32 @!p0 $0x1;
	_ =	shalt  }
.Lfunc_end2:
_tile_overlayer_lowered:
.L_overlay_start_2:
0x174: {  	(tag) =	ssettag $0x2  }
0x175: {  	s0 =	rddreg [dreg:$0x0];
	s2 =	stileid.u32  }
0x176: {  	s1 =	rddreg [dreg:$0x1];
	p0 =	sne.s32 s2, $0x0  }
0x177: {  	s3 =	rddreg [dreg:$0x2];
	[bflag:$0x3] =	sbarrier.arrive $0xFFFF;
	s2 =	simm.s32 @!p0 $0x1C04  }
0x178: {  	[timem:s3], [sflag:s2] =	dma.local @!p0 [hbm:s0], s1  }
0x179: {  	s0 =	simm.s32 @!p0 $0x4  }
0x17a: {  	_ =	swait.ge @!p0 [sflag:s0], s1  }
0x17b: {  	s1 =	ssub.s32 @!p0 $0x0, s1;
	[sflag:s0] =	ssyncset.done @!p0 $0x0  }
0x17c: {  	[sflag:s0] =	ssyncadd.s32 @!p0 s1  }
0x17d: {  	[bflag:$0x3] =	sbarrier.arrive $0xFFFF  }
0x17e: {  	_ =	shalt  }

</sc_bundles>
